<compile_context>
chip_gen: v7x
topology: tpu7x:2x2x1
jax: 0.10.2.dev20260603
libtpu: 0.0.44.dev20260713+nightly
codegen_flags: <defaults>
</compile_context>

<pallas_src>
import functools

import jax
import jax.numpy as jnp
from jax import lax
from jax.experimental import pallas as pl
from jax.experimental.pallas import tpu as pltpu
from jax.experimental.pallas import tpu_sc as plsc

B = 16384
UD = 64
ZD = 32
BT = 2048
OH = 128

_NC = 2
_NS = 16
_NW = _NC * _NS
_BPW = B // _NW
_CH = 128
_NCH = _BPW // _CH


def _sc_gather_body(utid_hbm, ztid_hbm, up_hbm, zp_hbm, uout_hbm, zout_hbm,
                    utid_v, ztid_v, ua_v, ub_v, za_v, zb_v, usem, zsem):
    wid = lax.axis_index("s") * _NC + lax.axis_index("c")
    base = wid * _BPW
    pltpu.sync_copy(utid_hbm.at[pl.ds(wid * _NCH, _NCH)], utid_v)
    pltpu.sync_copy(ztid_hbm.at[pl.ds(wid * _NCH, _NCH)], ztid_v)

    ubufs, zbufs = (ua_v, ub_v), (za_v, zb_v)

    def gather(c, b):
        cu = pltpu.async_copy(up_hbm.at[utid_v.at[c]], ubufs[b], usem)
        cz = pltpu.async_copy(zp_hbm.at[ztid_v.at[c]], zbufs[b], zsem)
        return cu, cz

    cps = [gather(0, 0), None]
    for c in range(_NCH):
        b = c & 1
        for cp in cps[b]:
            cp.wait()
        if c + 1 < _NCH:
            cps[1 - b] = gather(c + 1, 1 - b)
        row0 = base + c * _CH
        pltpu.sync_copy(ubufs[b], uout_hbm.at[pl.ds(row0, _CH)])
        pltpu.sync_copy(zbufs[b], zout_hbm.at[pl.ds(row0, _CH)])


@functools.cache
def _sc_gather():
    return functools.partial(
        pl.kernel,
        mesh=plsc.VectorSubcoreMesh(core_axis_name="c", subcore_axis_name="s"),
        out_type=[jax.ShapeDtypeStruct((B, 128), jnp.float32),
                  jax.ShapeDtypeStruct((B, 128), jnp.float32)],
        scratch_types=[pltpu.VMEM((_NCH, _CH), jnp.int32),
                       pltpu.VMEM((_NCH, _CH), jnp.int32),
                       pltpu.VMEM((_CH, 128), jnp.float32),
                       pltpu.VMEM((_CH, 128), jnp.float32),
                       pltpu.VMEM((_CH, 128), jnp.float32),
                       pltpu.VMEM((_CH, 128), jnp.float32),
                       pltpu.SemaphoreType.DMA,
                       pltpu.SemaphoreType.DMA],
    )(_sc_gather_body)


_TB = 8192
_UNB = 62
_USPLIT = (_UNB - 1) * _TB
_ZNB = 4
_ZSPLIT = (_ZNB - 1) * _TB


def _tr_pair_body(a_ref, b_ref, o_ref):
    o_ref[...] = jnp.concatenate(
        [jnp.transpose(a_ref[...]), jnp.transpose(b_ref[...])], axis=1)


def _tr_quad_body(a_ref, b_ref, c_ref, d_ref, o_ref):
    o_ref[...] = jnp.concatenate(
        [jnp.transpose(a_ref[...]), jnp.transpose(b_ref[...]),
         jnp.transpose(c_ref[...]), jnp.transpose(d_ref[...])], axis=1)


def _tr_user(tt, interpret=False):
    last = 1000000 // _TB
    return pl.pallas_call(
        _tr_pair_body,
        grid=(_UNB,),
        in_specs=[
            pl.BlockSpec((64, _TB),
                         lambda i: (0, jnp.where(i == _UNB - 1, last, i))),
            pl.BlockSpec((64, _TB),
                         lambda i: (0, jnp.where(i == _UNB - 1, last,
                                                 i + _UNB - 1))),
        ],
        out_specs=pl.BlockSpec((_TB, 128), lambda i: (i, 0)),
        out_shape=jax.ShapeDtypeStruct((_UNB * _TB, 128), jnp.float32),
        interpret=interpret,
    )(tt, tt)


def _tr_zip(tt, interpret=False):
    last = 100000 // _TB
    specs = [
        pl.BlockSpec((32, _TB),
                     lambda i, k=k: (0, jnp.where(i == _ZNB - 1, last,
                                                  i + k * (_ZNB - 1))))
        for k in range(4)
    ]
    return pl.pallas_call(
        _tr_quad_body,
        grid=(_ZNB,),
        in_specs=specs,
        out_specs=pl.BlockSpec((_TB, 128), lambda i: (i, 0)),
        out_shape=jax.ShapeDtypeStruct((_ZNB * _TB, 128), jnp.float32),
        interpret=interpret,
    )(tt, tt, tt, tt)


def _tc_body(idx_ref, up_ref, zp_ref, s0_ref, s1_ref, zw_ref, ws_ref,
             b1_ref, w2_ref, b2_ref, o_ref):
    g = idx_ref[:, 0:1]
    occ = idx_ref[:, 1:2]
    age = idx_ref[:, 2:3]
    dow = idx_ref[:, 3:4]
    hod = idx_ref[:, 4:5]
    upar = idx_ref[:, 5:6]
    zpar = idx_ref[:, 6:7]
    cross = lax.rem(dow * 24 + hod, 34)
    cols = lax.broadcasted_iota(jnp.int32, (BT, OH), 1)
    oh = ((cols == g)
          | (cols == occ + 2)
          | (cols == age + 24)
          | (cols == dow + 31)
          | (cols == hod + 38)
          | (cols == cross + 62)).astype(jnp.float32)
    up = up_ref[...]
    zp = zp_ref[...]
    pf = (upar == 1).astype(jnp.float32)
    user = (jnp.dot(up, s0_ref[...], preferred_element_type=jnp.float32)
            * (1.0 - pf)
            + jnp.dot(up, s1_ref[...], preferred_element_type=jnp.float32)
            * pf)
    zipc = 0.0
    for k in range(4):
        qf = (zpar == k).astype(jnp.float32)
        zipc = zipc + qf * jnp.dot(zp, zw_ref[k], preferred_element_type=jnp.float32)
    h1 = (user + zipc
          + jnp.dot(oh, ws_ref[...], preferred_element_type=jnp.float32)
          + b1_ref[...])
    h1 = jnp.maximum(h1, 0.0)
    h2 = jnp.dot(h1, w2_ref[...], preferred_element_type=jnp.float32) + b2_ref[...]
    h2 = jnp.maximum(h2, 0.0)
    ssq = jnp.sum(h2 * h2, axis=1, keepdims=True)
    o_ref[...] = h2 * lax.rsqrt(jnp.maximum(ssq, 1e-12))


def _tc_tower(idx_packed, up, zp, s0, s1, zw, ws, b1r, w2, b2r,
              interpret=False):
    return pl.pallas_call(
        _tc_body,
        grid=(B // BT,),
        in_specs=[
            pl.BlockSpec((BT, 8), lambda i: (i, 0)),
            pl.BlockSpec((BT, 128), lambda i: (i, 0)),
            pl.BlockSpec((BT, 128), lambda i: (i, 0)),
            pl.BlockSpec((128, UD), lambda i: (0, 0)),
            pl.BlockSpec((128, UD), lambda i: (0, 0)),
            pl.BlockSpec((4, 128, UD), lambda i: (0, 0, 0)),
            pl.BlockSpec((OH, UD), lambda i: (0, 0)),
            pl.BlockSpec((1, UD), lambda i: (0, 0)),
            pl.BlockSpec((UD, ZD), lambda i: (0, 0)),
            pl.BlockSpec((1, ZD), lambda i: (0, 0)),
        ],
        out_specs=pl.BlockSpec((BT, ZD), lambda i: (i, 0)),
        out_shape=jax.ShapeDtypeStruct((B, ZD), jnp.float32),
        interpret=interpret,
    )(idx_packed, up, zp, s0, s1, zw, ws, b1r, w2, b2r)


def kernel(user_gender, user_id, user_occupation_label, user_zip_code,
           bucketized_user_age, day_of_week, hour_of_day, user_table,
           zip_table, cross_table, W1, b1, W2, b2):
    uid = user_id.astype(jnp.int32)
    zid = user_zip_code.astype(jnp.int32)
    upv = _tr_user(user_table.T)
    zpv = _tr_zip(zip_table.T)
    utid = jnp.where(uid >= _USPLIT, uid - _USPLIT, uid)
    uhalf = ((uid >= _USPLIT) & (uid < 2 * _USPLIT)).astype(jnp.int32)
    ztid = jnp.where(zid < 4 * _ZSPLIT, zid % _ZSPLIT, zid - 3 * _ZSPLIT)
    zq = jnp.where(zid < 4 * _ZSPLIT, zid // _ZSPLIT, 0)
    up, zp = _sc_gather()(utid.reshape(-1, _CH), ztid.reshape(-1, _CH),
                          upv, zpv)

    g = user_gender.astype(jnp.int32)
    zeros = jnp.zeros_like(g)
    idx_packed = jnp.stack(
        [g, user_occupation_label.astype(jnp.int32),
         bucketized_user_age.astype(jnp.int32),
         day_of_week.astype(jnp.int32), hour_of_day.astype(jnp.int32),
         uhalf, zq, zeros], axis=1)

    w1u = W1[2:66]
    w1z = W1[88:120]
    zpad = jnp.zeros((64, 64), jnp.float32)
    s0 = jnp.concatenate([w1u, zpad], axis=0)
    s1 = jnp.concatenate([zpad, w1u], axis=0)
    zw = jnp.stack([
        jnp.zeros((128, 64), jnp.float32).at[32 * k:32 * k + 32].set(w1z)
        for k in range(4)], axis=0)
    c2 = cross_table @ W1[158:174]
    ws = jnp.concatenate(
        [W1[0:2], W1[66:88], W1[120:158], c2,
         jnp.zeros((OH - 97, 64), jnp.float32)], axis=0)
    return _tc_tower(idx_packed, up, zp, s0, s1, zw, ws,
                     b1.reshape(1, 64), W2, b2.reshape(1, 32))

# --- scband reference (transcript-rebuilt; emitter-appended) ---
"""Pipeline reference for scband-user-model-62182536512406 (READ-ONLY COPY).

The authoritative reference and input builder live on the scoring server;
editing this copy changes nothing except your own understanding.
"""

import jax, jax.numpy as jnp
import numpy as np

B = 16384
USER_VOCAB = 1000000
ZIP_VOCAB = 100000

def setup_inputs(seed: int = 0) -> dict:
    key = jax.random.key(seed)
    ks = jax.random.split(key, 16)
    inp = {}
    inp["user_gender"] = jax.random.randint(ks[0], (B,), 0, 2).astype(jnp.bool_)
    inp["user_id"] = jax.random.randint(ks[1], (B,), 0, USER_VOCAB)
    inp["user_occupation_label"] = jax.random.randint(ks[2], (B,), 0, 22)
    inp["user_zip_code"] = jax.random.randint(ks[3], (B,), 0, ZIP_VOCAB)
    inp["bucketized_user_age"] = jax.random.randint(ks[4], (B,), 0, 7)
    inp["day_of_week"] = jax.random.randint(ks[5], (B,), 0, 7)
    inp["hour_of_day"] = jax.random.randint(ks[6], (B,), 0, 24)
    inp["user_table"] = jax.random.normal(ks[7], (USER_VOCAB, 64), dtype=jnp.float32) * 0.05
    inp["zip_table"] = jax.random.normal(ks[8], (ZIP_VOCAB, 32), dtype=jnp.float32) * 0.05
    inp["cross_table"] = jax.random.normal(ks[9], (35, 16), dtype=jnp.float32) * 0.05
    inp["W1"] = jax.random.normal(ks[10], (174, 64), dtype=jnp.float32) * 0.05
    inp["b1"] = jnp.zeros((64,), dtype=jnp.float32)
    inp["W2"] = jax.random.normal(ks[11], (64, 32), dtype=jnp.float32) * 0.05
    inp["b2"] = jnp.zeros((32,), dtype=jnp.float32)
    return inp

def reference(user_gender, user_id, user_occupation_label, user_zip_code, bucketized_user_age, day_of_week, hour_of_day, user_table, zip_table, cross_table, W1, b1, W2, b2):
    # CategoryEncoding one-hot blocks
    gender_oh = jax.nn.one_hot(jnp.where(user_gender, 1, 0), 2, dtype=jnp.float32)
    occ_oh = jax.nn.one_hot(user_occupation_label, 22, dtype=jnp.float32)
    age_oh = jax.nn.one_hot(bucketized_user_age, 7, dtype=jnp.float32)
    dow_oh = jax.nn.one_hot(day_of_week, 7, dtype=jnp.float32)
    hod_oh = jax.nn.one_hot(hour_of_day, 24, dtype=jnp.float32)
    # StringLookup/IntegerLookup already folded into integer indices -> Embedding gathers
    user_emb = jnp.take(user_table, user_id, axis=0)
    zip_emb = jnp.take(zip_table, user_zip_code, axis=0)
    # HashedCrossing(num_bins=34) of (day_of_week, hour_of_day) -> Embedding(35, 16)
    cross_idx = (day_of_week * 24 + hour_of_day) % 34
    cross_emb = jnp.take(cross_table, cross_idx, axis=0)
    feats = jnp.concatenate([gender_oh, user_emb, occ_oh, zip_emb, age_oh, dow_oh, hod_oh, cross_emb], axis=-1)  # [B, 174]
    h = jax.nn.relu(feats @ W1 + b1)
    h = jax.nn.relu(h @ W2 + b2)
    # tf.math.l2_normalize with epsilon 1e-12
    return h * jax.lax.rsqrt(jnp.maximum(jnp.sum(h * h, axis=-1, keepdims=True), 1e-12))

if __name__ == "__main__":
    import jax
    _d = setup_inputs()
    print(jax.jit(kernel)(*tuple(_d.values())))

</pallas_src>

<mosaic_0001>
#map = affine_map<(d0, d1) -> (0, 0)>
module attributes {stable_mosaic.version = 14 : i64} {
  func.func @_sc_gather_body(%arg0: i32, %arg1: i32, %arg2: memref<128x128xi32, #tpu.memory_space<hbm>>, %arg3: memref<128x128xi32, #tpu.memory_space<hbm>>, %arg4: memref<507904x128xf32, #tpu.memory_space<hbm>>, %arg5: memref<32768x128xf32, #tpu.memory_space<hbm>>, %arg6: memref<16384x128xf32, #tpu.memory_space<hbm>>, %arg7: memref<16384x128xf32, #tpu.memory_space<hbm>>, %arg8: memref<4x128xi32, #tpu.memory_space<vmem>>, %arg9: memref<4x128xi32, #tpu.memory_space<vmem>>, %arg10: memref<128x128xf32, #tpu.memory_space<vmem>>, %arg11: memref<128x128xf32, #tpu.memory_space<vmem>>, %arg12: memref<128x128xf32, #tpu.memory_space<vmem>>, %arg13: memref<128x128xf32, #tpu.memory_space<vmem>>, %arg14: memref<!tpu.dma_semaphore, #tpu.memory_space<semaphore_mem>>, %arg15: memref<!tpu.dma_semaphore, #tpu.memory_space<semaphore_mem>>) attributes {dimension_semantics = [#tpu.dimension_semantics<core_parallel>, #tpu.dimension_semantics<subcore_parallel>], iteration_bounds = array<i64: 2, 16>, scalar_prefetch = 0 : i64, scratch_operands = 8 : i64, tpu.core_type = #tpu.core_type<sc_vector_subcore>, window_params = [{transform_indices = #map}, {transform_indices = #map}, {transform_indices = #map}, {transform_indices = #map}, {transform_indices = #map}, {transform_indices = #map}]} {
    %mul3A = arith.constant 2 : i32
    %mul3A_0 = arith.muli %arg1, %mul3A : i32
    %add3A = arith.addi %mul3A_0, %arg0 : i32
    %mul3A_1 = arith.constant 512 : i32
    %mul3A_2 = arith.muli %add3A, %mul3A_1 : i32
    %mul3A_3 = arith.constant 4 : i32
    %mul3A_4 = arith.muli %add3A, %mul3A_3 : i32
    "tpu.region"() ({
      %run_scoped3A = tpu.sem_alloc : memref<!tpu.dma_semaphore, #tpu.memory_space<semaphore_mem>>
      %dma_start3A_125 = arith.constant 0 : i32
      %dma_start3A_126 = tpu.memref_slice %arg2[%mul3A_4, %dma_start3A_125] : memref<128x128xi32, #tpu.memory_space<hbm>> -> memref<4x128xi32, #tpu.memory_space<hbm>>
      %dma_start3A_127 = arith.constant 0 : i32
      %dma_start3A_128 = tpu.memref_slice %arg2[%mul3A_4, %dma_start3A_127] : memref<128x128xi32, #tpu.memory_space<hbm>> -> memref<4x128xi32, #tpu.memory_space<hbm>>
      tpu.enqueue_dma source(%dma_start3A_128 : memref<4x128xi32, #tpu.memory_space<hbm>>) target(%arg8 : memref<4x128xi32, #tpu.memory_space<vmem>>) target_semaphore(%run_scoped3A : memref<!tpu.dma_semaphore, #tpu.memory_space<semaphore_mem>>)
      %dma_wait3A_129 = arith.constant 0 : i32
      %dma_wait3A_130 = tpu.memref_slice %arg2[%mul3A_4, %dma_wait3A_129] : memref<128x128xi32, #tpu.memory_space<hbm>> -> memref<4x128xi32, #tpu.memory_space<hbm>>
      %dma_wait3A_131 = arith.constant 0 : i32
      %dma_wait3A_132 = tpu.memref_slice %arg2[%mul3A_4, %dma_wait3A_131] : memref<128x128xi32, #tpu.memory_space<hbm>> -> memref<4x128xi32, #tpu.memory_space<hbm>>
      tpu.wait_dma2 semaphore(%run_scoped3A : memref<!tpu.dma_semaphore, #tpu.memory_space<semaphore_mem>>) src(%dma_wait3A_132 : memref<4x128xi32, #tpu.memory_space<hbm>>) dst(%arg8 : memref<4x128xi32, #tpu.memory_space<vmem>>)
      tpu.yield
    }) : () -> ()
    %mul3A_5 = arith.constant 4 : i32
    %mul3A_6 = arith.muli %add3A, %mul3A_5 : i32
    "tpu.region"() ({
      %run_scoped3A = tpu.sem_alloc : memref<!tpu.dma_semaphore, #tpu.memory_space<semaphore_mem>>
      %dma_start3A_125 = arith.constant 0 : i32
      %dma_start3A_126 = tpu.memref_slice %arg3[%mul3A_6, %dma_start3A_125] : memref<128x128xi32, #tpu.memory_space<hbm>> -> memref<4x128xi32, #tpu.memory_space<hbm>>
      %dma_start3A_127 = arith.constant 0 : i32
      %dma_start3A_128 = tpu.memref_slice %arg3[%mul3A_6, %dma_start3A_127] : memref<128x128xi32, #tpu.memory_space<hbm>> -> memref<4x128xi32, #tpu.memory_space<hbm>>
      tpu.enqueue_dma source(%dma_start3A_128 : memref<4x128xi32, #tpu.memory_space<hbm>>) target(%arg9 : memref<4x128xi32, #tpu.memory_space<vmem>>) target_semaphore(%run_scoped3A : memref<!tpu.dma_semaphore, #tpu.memory_space<semaphore_mem>>)
      %dma_wait3A_129 = arith.constant 0 : i32
      %dma_wait3A_130 = tpu.memref_slice %arg3[%mul3A_6, %dma_wait3A_129] : memref<128x128xi32, #tpu.memory_space<hbm>> -> memref<4x128xi32, #tpu.memory_space<hbm>>
      %dma_wait3A_131 = arith.constant 0 : i32
      %dma_wait3A_132 = tpu.memref_slice %arg3[%mul3A_6, %dma_wait3A_131] : memref<128x128xi32, #tpu.memory_space<hbm>> -> memref<4x128xi32, #tpu.memory_space<hbm>>
      tpu.wait_dma2 semaphore(%run_scoped3A : memref<!tpu.dma_semaphore, #tpu.memory_space<semaphore_mem>>) src(%dma_wait3A_132 : memref<4x128xi32, #tpu.memory_space<hbm>>) dst(%arg9 : memref<4x128xi32, #tpu.memory_space<vmem>>)
      tpu.yield
    }) : () -> ()
    %dma_start3A = arith.constant 0 : i32
    %dma_start3A_7 = arith.constant 0 : i32
    %dma_start3A_8 = tpu.memref_slice %arg8[%dma_start3A, %dma_start3A_7] : memref<4x128xi32, #tpu.memory_space<vmem>> -> memref<1x128xi32, #tpu.memory_space<vmem>>
    %dma_start3A_9 = tpu.memref_squeeze %dma_start3A_8 : memref<1x128xi32, #tpu.memory_space<vmem>> -> memref<128xi32, #tpu.memory_space<vmem>>
    %dma_start3A_10 = arith.constant 0 : i32
    %dma_start3A_11 = arith.constant 0 : i32
    %dma_start3A_12 = tpu.memref_slice %arg4[%dma_start3A_10, %dma_start3A_11] : memref<507904x128xf32, #tpu.memory_space<hbm>> -> memref<507904x128xf32, #tpu.memory_space<hbm>>
    tpu.enqueue_indirect_dma source(%dma_start3A_12 : memref<507904x128xf32, #tpu.memory_space<hbm>>) target(%arg10 : memref<128x128xf32, #tpu.memory_space<vmem>>) offsets(%dma_start3A_9 : memref<128xi32, #tpu.memory_space<vmem>>) semaphore(%arg14 : memref<!tpu.dma_semaphore, #tpu.memory_space<semaphore_mem>>)
    %dma_start3A_13 = arith.constant 0 : i32
    %dma_start3A_14 = arith.constant 0 : i32
    %dma_start3A_15 = tpu.memref_slice %arg9[%dma_start3A_13, %dma_start3A_14] : memref<4x128xi32, #tpu.memory_space<vmem>> -> memref<1x128xi32, #tpu.memory_space<vmem>>
    %dma_start3A_16 = tpu.memref_squeeze %dma_start3A_15 : memref<1x128xi32, #tpu.memory_space<vmem>> -> memref<128xi32, #tpu.memory_space<vmem>>
    %dma_start3A_17 = arith.constant 0 : i32
    %dma_start3A_18 = arith.constant 0 : i32
    %dma_start3A_19 = tpu.memref_slice %arg5[%dma_start3A_17, %dma_start3A_18] : memref<32768x128xf32, #tpu.memory_space<hbm>> -> memref<32768x128xf32, #tpu.memory_space<hbm>>
    tpu.enqueue_indirect_dma source(%dma_start3A_19 : memref<32768x128xf32, #tpu.memory_space<hbm>>) target(%arg12 : memref<128x128xf32, #tpu.memory_space<vmem>>) offsets(%dma_start3A_16 : memref<128xi32, #tpu.memory_space<vmem>>) semaphore(%arg15 : memref<!tpu.dma_semaphore, #tpu.memory_space<semaphore_mem>>)
    %dma_wait3A = arith.constant 0 : i32
    %dma_wait3A_20 = arith.constant 0 : i32
    %dma_wait3A_21 = tpu.memref_slice %arg8[%dma_wait3A, %dma_wait3A_20] : memref<4x128xi32, #tpu.memory_space<vmem>> -> memref<1x128xi32, #tpu.memory_space<vmem>>
    %dma_wait3A_22 = tpu.memref_squeeze %dma_wait3A_21 : memref<1x128xi32, #tpu.memory_space<vmem>> -> memref<128xi32, #tpu.memory_space<vmem>>
    %dma_wait3A_23 = arith.constant 0 : i32
    %dma_wait3A_24 = arith.constant 0 : i32
    %dma_wait3A_25 = tpu.memref_slice %arg4[%dma_wait3A_23, %dma_wait3A_24] : memref<507904x128xf32, #tpu.memory_space<hbm>> -> memref<507904x128xf32, #tpu.memory_space<hbm>>
    tpu.wait_indirect_dma semaphore(%arg14 : memref<!tpu.dma_semaphore, #tpu.memory_space<semaphore_mem>>) src(%dma_wait3A_25 : memref<507904x128xf32, #tpu.memory_space<hbm>>) dst(%arg10 : memref<128x128xf32, #tpu.memory_space<vmem>>)
    %dma_wait3A_26 = arith.constant 0 : i32
    %dma_wait3A_27 = arith.constant 0 : i32
    %dma_wait3A_28 = tpu.memref_slice %arg9[%dma_wait3A_26, %dma_wait3A_27] : memref<4x128xi32, #tpu.memory_space<vmem>> -> memref<1x128xi32, #tpu.memory_space<vmem>>
    %dma_wait3A_29 = tpu.memref_squeeze %dma_wait3A_28 : memref<1x128xi32, #tpu.memory_space<vmem>> -> memref<128xi32, #tpu.memory_space<vmem>>
    %dma_wait3A_30 = arith.constant 0 : i32
    %dma_wait3A_31 = arith.constant 0 : i32
    %dma_wait3A_32 = tpu.memref_slice %arg5[%dma_wait3A_30, %dma_wait3A_31] : memref<32768x128xf32, #tpu.memory_space<hbm>> -> memref<32768x128xf32, #tpu.memory_space<hbm>>
    tpu.wait_indirect_dma semaphore(%arg15 : memref<!tpu.dma_semaphore, #tpu.memory_space<semaphore_mem>>) src(%dma_wait3A_32 : memref<32768x128xf32, #tpu.memory_space<hbm>>) dst(%arg12 : memref<128x128xf32, #tpu.memory_space<vmem>>)
    %dma_start3A_33 = arith.constant 1 : i32
    %dma_start3A_34 = arith.constant 0 : i32
    %dma_start3A_35 = tpu.memref_slice %arg8[%dma_start3A_33, %dma_start3A_34] : memref<4x128xi32, #tpu.memory_space<vmem>> -> memref<1x128xi32, #tpu.memory_space<vmem>>
    %dma_start3A_36 = tpu.memref_squeeze %dma_start3A_35 : memref<1x128xi32, #tpu.memory_space<vmem>> -> memref<128xi32, #tpu.memory_space<vmem>>
    %dma_start3A_37 = arith.constant 0 : i32
    %dma_start3A_38 = arith.constant 0 : i32
    %dma_start3A_39 = tpu.memref_slice %arg4[%dma_start3A_37, %dma_start3A_38] : memref<507904x128xf32, #tpu.memory_space<hbm>> -> memref<507904x128xf32, #tpu.memory_space<hbm>>
    tpu.enqueue_indirect_dma source(%dma_start3A_39 : memref<507904x128xf32, #tpu.memory_space<hbm>>) target(%arg11 : memref<128x128xf32, #tpu.memory_space<vmem>>) offsets(%dma_start3A_36 : memref<128xi32, #tpu.memory_space<vmem>>) semaphore(%arg14 : memref<!tpu.dma_semaphore, #tpu.memory_space<semaphore_mem>>)
    %dma_start3A_40 = arith.constant 1 : i32
    %dma_start3A_41 = arith.constant 0 : i32
    %dma_start3A_42 = tpu.memref_slice %arg9[%dma_start3A_40, %dma_start3A_41] : memref<4x128xi32, #tpu.memory_space<vmem>> -> memref<1x128xi32, #tpu.memory_space<vmem>>
    %dma_start3A_43 = tpu.memref_squeeze %dma_start3A_42 : memref<1x128xi32, #tpu.memory_space<vmem>> -> memref<128xi32, #tpu.memory_space<vmem>>
    %dma_start3A_44 = arith.constant 0 : i32
    %dma_start3A_45 = arith.constant 0 : i32
    %dma_start3A_46 = tpu.memref_slice %arg5[%dma_start3A_44, %dma_start3A_45] : memref<32768x128xf32, #tpu.memory_space<hbm>> -> memref<32768x128xf32, #tpu.memory_space<hbm>>
    tpu.enqueue_indirect_dma source(%dma_start3A_46 : memref<32768x128xf32, #tpu.memory_space<hbm>>) target(%arg13 : memref<128x128xf32, #tpu.memory_space<vmem>>) offsets(%dma_start3A_43 : memref<128xi32, #tpu.memory_space<vmem>>) semaphore(%arg15 : memref<!tpu.dma_semaphore, #tpu.memory_space<semaphore_mem>>)
    %add3A_47 = arith.constant 0 : i32
    %add3A_48 = arith.addi %mul3A_2, %add3A_47 : i32
    "tpu.region"() ({
      %run_scoped3A = tpu.sem_alloc : memref<!tpu.dma_semaphore, #tpu.memory_space<semaphore_mem>>
      %dma_start3A_125 = arith.constant 0 : i32
      %dma_start3A_126 = tpu.memref_slice %arg6[%add3A_48, %dma_start3A_125] : memref<16384x128xf32, #tpu.memory_space<hbm>> -> memref<128x128xf32, #tpu.memory_space<hbm>>
      %dma_start3A_127 = arith.constant 0 : i32
      %dma_start3A_128 = tpu.memref_slice %arg6[%add3A_48, %dma_start3A_127] : memref<16384x128xf32, #tpu.memory_space<hbm>> -> memref<128x128xf32, #tpu.memory_space<hbm>>
      tpu.enqueue_dma source(%arg10 : memref<128x128xf32, #tpu.memory_space<vmem>>) target(%dma_start3A_128 : memref<128x128xf32, #tpu.memory_space<hbm>>) target_semaphore(%run_scoped3A : memref<!tpu.dma_semaphore, #tpu.memory_space<semaphore_mem>>)
      %dma_wait3A_129 = arith.constant 0 : i32
      %dma_wait3A_130 = tpu.memref_slice %arg6[%add3A_48, %dma_wait3A_129] : memref<16384x128xf32, #tpu.memory_space<hbm>> -> memref<128x128xf32, #tpu.memory_space<hbm>>
      %dma_wait3A_131 = arith.constant 0 : i32
      %dma_wait3A_132 = tpu.memref_slice %arg6[%add3A_48, %dma_wait3A_131] : memref<16384x128xf32, #tpu.memory_space<hbm>> -> memref<128x128xf32, #tpu.memory_space<hbm>>
      tpu.wait_dma2 semaphore(%run_scoped3A : memref<!tpu.dma_semaphore, #tpu.memory_space<semaphore_mem>>) src(%arg10 : memref<128x128xf32, #tpu.memory_space<vmem>>) dst(%dma_wait3A_132 : memref<128x128xf32, #tpu.memory_space<hbm>>)
      tpu.yield
    }) : () -> ()
    "tpu.region"() ({
      %run_scoped3A = tpu.sem_alloc : memref<!tpu.dma_semaphore, #tpu.memory_space<semaphore_mem>>
      %dma_start3A_125 = arith.constant 0 : i32
      %dma_start3A_126 = tpu.memref_slice %arg7[%add3A_48, %dma_start3A_125] : memref<16384x128xf32, #tpu.memory_space<hbm>> -> memref<128x128xf32, #tpu.memory_space<hbm>>
      %dma_start3A_127 = arith.constant 0 : i32
      %dma_start3A_128 = tpu.memref_slice %arg7[%add3A_48, %dma_start3A_127] : memref<16384x128xf32, #tpu.memory_space<hbm>> -> memref<128x128xf32, #tpu.memory_space<hbm>>
      tpu.enqueue_dma source(%arg12 : memref<128x128xf32, #tpu.memory_space<vmem>>) target(%dma_start3A_128 : memref<128x128xf32, #tpu.memory_space<hbm>>) target_semaphore(%run_scoped3A : memref<!tpu.dma_semaphore, #tpu.memory_space<semaphore_mem>>)
      %dma_wait3A_129 = arith.constant 0 : i32
      %dma_wait3A_130 = tpu.memref_slice %arg7[%add3A_48, %dma_wait3A_129] : memref<16384x128xf32, #tpu.memory_space<hbm>> -> memref<128x128xf32, #tpu.memory_space<hbm>>
      %dma_wait3A_131 = arith.constant 0 : i32
      %dma_wait3A_132 = tpu.memref_slice %arg7[%add3A_48, %dma_wait3A_131] : memref<16384x128xf32, #tpu.memory_space<hbm>> -> memref<128x128xf32, #tpu.memory_space<hbm>>
      tpu.wait_dma2 semaphore(%run_scoped3A : memref<!tpu.dma_semaphore, #tpu.memory_space<semaphore_mem>>) src(%arg12 : memref<128x128xf32, #tpu.memory_space<vmem>>) dst(%dma_wait3A_132 : memref<128x128xf32, #tpu.memory_space<hbm>>)
      tpu.yield
    }) : () -> ()
    %dma_wait3A_49 = arith.constant 1 : i32
    %dma_wait3A_50 = arith.constant 0 : i32
    %dma_wait3A_51 = tpu.memref_slice %arg8[%dma_wait3A_49, %dma_wait3A_50] : memref<4x128xi32, #tpu.memory_space<vmem>> -> memref<1x128xi32, #tpu.memory_space<vmem>>
    %dma_wait3A_52 = tpu.memref_squeeze %dma_wait3A_51 : memref<1x128xi32, #tpu.memory_space<vmem>> -> memref<128xi32, #tpu.memory_space<vmem>>
    %dma_wait3A_53 = arith.constant 0 : i32
    %dma_wait3A_54 = arith.constant 0 : i32
    %dma_wait3A_55 = tpu.memref_slice %arg4[%dma_wait3A_53, %dma_wait3A_54] : memref<507904x128xf32, #tpu.memory_space<hbm>> -> memref<507904x128xf32, #tpu.memory_space<hbm>>
    tpu.wait_indirect_dma semaphore(%arg14 : memref<!tpu.dma_semaphore, #tpu.memory_space<semaphore_mem>>) src(%dma_wait3A_55 : memref<507904x128xf32, #tpu.memory_space<hbm>>) dst(%arg11 : memref<128x128xf32, #tpu.memory_space<vmem>>)
    %dma_wait3A_56 = arith.constant 1 : i32
    %dma_wait3A_57 = arith.constant 0 : i32
    %dma_wait3A_58 = tpu.memref_slice %arg9[%dma_wait3A_56, %dma_wait3A_57] : memref<4x128xi32, #tpu.memory_space<vmem>> -> memref<1x128xi32, #tpu.memory_space<vmem>>
    %dma_wait3A_59 = tpu.memref_squeeze %dma_wait3A_58 : memref<1x128xi32, #tpu.memory_space<vmem>> -> memref<128xi32, #tpu.memory_space<vmem>>
    %dma_wait3A_60 = arith.constant 0 : i32
    %dma_wait3A_61 = arith.constant 0 : i32
    %dma_wait3A_62 = tpu.memref_slice %arg5[%dma_wait3A_60, %dma_wait3A_61] : memref<32768x128xf32, #tpu.memory_space<hbm>> -> memref<32768x128xf32, #tpu.memory_space<hbm>>
    tpu.wait_indirect_dma semaphore(%arg15 : memref<!tpu.dma_semaphore, #tpu.memory_space<semaphore_mem>>) src(%dma_wait3A_62 : memref<32768x128xf32, #tpu.memory_space<hbm>>) dst(%arg13 : memref<128x128xf32, #tpu.memory_space<vmem>>)
    %dma_start3A_63 = arith.constant 2 : i32
    %dma_start3A_64 = arith.constant 0 : i32
    %dma_start3A_65 = tpu.memref_slice %arg8[%dma_start3A_63, %dma_start3A_64] : memref<4x128xi32, #tpu.memory_space<vmem>> -> memref<1x128xi32, #tpu.memory_space<vmem>>
    %dma_start3A_66 = tpu.memref_squeeze %dma_start3A_65 : memref<1x128xi32, #tpu.memory_space<vmem>> -> memref<128xi32, #tpu.memory_space<vmem>>
    %dma_start3A_67 = arith.constant 0 : i32
    %dma_start3A_68 = arith.constant 0 : i32
    %dma_start3A_69 = tpu.memref_slice %arg4[%dma_start3A_67, %dma_start3A_68] : memref<507904x128xf32, #tpu.memory_space<hbm>> -> memref<507904x128xf32, #tpu.memory_space<hbm>>
    tpu.enqueue_indirect_dma source(%dma_start3A_69 : memref<507904x128xf32, #tpu.memory_space<hbm>>) target(%arg10 : memref<128x128xf32, #tpu.memory_space<vmem>>) offsets(%dma_start3A_66 : memref<128xi32, #tpu.memory_space<vmem>>) semaphore(%arg14 : memref<!tpu.dma_semaphore, #tpu.memory_space<semaphore_mem>>)
    %dma_start3A_70 = arith.constant 2 : i32
    %dma_start3A_71 = arith.constant 0 : i32
    %dma_start3A_72 = tpu.memref_slice %arg9[%dma_start3A_70, %dma_start3A_71] : memref<4x128xi32, #tpu.memory_space<vmem>> -> memref<1x128xi32, #tpu.memory_space<vmem>>
    %dma_start3A_73 = tpu.memref_squeeze %dma_start3A_72 : memref<1x128xi32, #tpu.memory_space<vmem>> -> memref<128xi32, #tpu.memory_space<vmem>>
    %dma_start3A_74 = arith.constant 0 : i32
    %dma_start3A_75 = arith.constant 0 : i32
    %dma_start3A_76 = tpu.memref_slice %arg5[%dma_start3A_74, %dma_start3A_75] : memref<32768x128xf32, #tpu.memory_space<hbm>> -> memref<32768x128xf32, #tpu.memory_space<hbm>>
    tpu.enqueue_indirect_dma source(%dma_start3A_76 : memref<32768x128xf32, #tpu.memory_space<hbm>>) target(%arg12 : memref<128x128xf32, #tpu.memory_space<vmem>>) offsets(%dma_start3A_73 : memref<128xi32, #tpu.memory_space<vmem>>) semaphore(%arg15 : memref<!tpu.dma_semaphore, #tpu.memory_space<semaphore_mem>>)
    %add3A_77 = arith.constant 128 : i32
    %add3A_78 = arith.addi %mul3A_2, %add3A_77 : i32
    "tpu.region"() ({
      %run_scoped3A = tpu.sem_alloc : memref<!tpu.dma_semaphore, #tpu.memory_space<semaphore_mem>>
      %dma_start3A_125 = arith.constant 0 : i32
      %dma_start3A_126 = tpu.memref_slice %arg6[%add3A_78, %dma_start3A_125] : memref<16384x128xf32, #tpu.memory_space<hbm>> -> memref<128x128xf32, #tpu.memory_space<hbm>>
      %dma_start3A_127 = arith.constant 0 : i32
      %dma_start3A_128 = tpu.memref_slice %arg6[%add3A_78, %dma_start3A_127] : memref<16384x128xf32, #tpu.memory_space<hbm>> -> memref<128x128xf32, #tpu.memory_space<hbm>>
      tpu.enqueue_dma source(%arg11 : memref<128x128xf32, #tpu.memory_space<vmem>>) target(%dma_start3A_128 : memref<128x128xf32, #tpu.memory_space<hbm>>) target_semaphore(%run_scoped3A : memref<!tpu.dma_semaphore, #tpu.memory_space<semaphore_mem>>)
      %dma_wait3A_129 = arith.constant 0 : i32
      %dma_wait3A_130 = tpu.memref_slice %arg6[%add3A_78, %dma_wait3A_129] : memref<16384x128xf32, #tpu.memory_space<hbm>> -> memref<128x128xf32, #tpu.memory_space<hbm>>
      %dma_wait3A_131 = arith.constant 0 : i32
      %dma_wait3A_132 = tpu.memref_slice %arg6[%add3A_78, %dma_wait3A_131] : memref<16384x128xf32, #tpu.memory_space<hbm>> -> memref<128x128xf32, #tpu.memory_space<hbm>>
      tpu.wait_dma2 semaphore(%run_scoped3A : memref<!tpu.dma_semaphore, #tpu.memory_space<semaphore_mem>>) src(%arg11 : memref<128x128xf32, #tpu.memory_space<vmem>>) dst(%dma_wait3A_132 : memref<128x128xf32, #tpu.memory_space<hbm>>)
      tpu.yield
    }) : () -> ()
    "tpu.region"() ({
      %run_scoped3A = tpu.sem_alloc : memref<!tpu.dma_semaphore, #tpu.memory_space<semaphore_mem>>
      %dma_start3A_125 = arith.constant 0 : i32
      %dma_start3A_126 = tpu.memref_slice %arg7[%add3A_78, %dma_start3A_125] : memref<16384x128xf32, #tpu.memory_space<hbm>> -> memref<128x128xf32, #tpu.memory_space<hbm>>
      %dma_start3A_127 = arith.constant 0 : i32
      %dma_start3A_128 = tpu.memref_slice %arg7[%add3A_78, %dma_start3A_127] : memref<16384x128xf32, #tpu.memory_space<hbm>> -> memref<128x128xf32, #tpu.memory_space<hbm>>
      tpu.enqueue_dma source(%arg13 : memref<128x128xf32, #tpu.memory_space<vmem>>) target(%dma_start3A_128 : memref<128x128xf32, #tpu.memory_space<hbm>>) target_semaphore(%run_scoped3A : memref<!tpu.dma_semaphore, #tpu.memory_space<semaphore_mem>>)
      %dma_wait3A_129 = arith.constant 0 : i32
      %dma_wait3A_130 = tpu.memref_slice %arg7[%add3A_78, %dma_wait3A_129] : memref<16384x128xf32, #tpu.memory_space<hbm>> -> memref<128x128xf32, #tpu.memory_space<hbm>>
      %dma_wait3A_131 = arith.constant 0 : i32
      %dma_wait3A_132 = tpu.memref_slice %arg7[%add3A_78, %dma_wait3A_131] : memref<16384x128xf32, #tpu.memory_space<hbm>> -> memref<128x128xf32, #tpu.memory_space<hbm>>
      tpu.wait_dma2 semaphore(%run_scoped3A : memref<!tpu.dma_semaphore, #tpu.memory_space<semaphore_mem>>) src(%arg13 : memref<128x128xf32, #tpu.memory_space<vmem>>) dst(%dma_wait3A_132 : memref<128x128xf32, #tpu.memory_space<hbm>>)
      tpu.yield
    }) : () -> ()
    %dma_wait3A_79 = arith.constant 2 : i32
    %dma_wait3A_80 = arith.constant 0 : i32
    %dma_wait3A_81 = tpu.memref_slice %arg8[%dma_wait3A_79, %dma_wait3A_80] : memref<4x128xi32, #tpu.memory_space<vmem>> -> memref<1x128xi32, #tpu.memory_space<vmem>>
    %dma_wait3A_82 = tpu.memref_squeeze %dma_wait3A_81 : memref<1x128xi32, #tpu.memory_space<vmem>> -> memref<128xi32, #tpu.memory_space<vmem>>
    %dma_wait3A_83 = arith.constant 0 : i32
    %dma_wait3A_84 = arith.constant 0 : i32
    %dma_wait3A_85 = tpu.memref_slice %arg4[%dma_wait3A_83, %dma_wait3A_84] : memref<507904x128xf32, #tpu.memory_space<hbm>> -> memref<507904x128xf32, #tpu.memory_space<hbm>>
    tpu.wait_indirect_dma semaphore(%arg14 : memref<!tpu.dma_semaphore, #tpu.memory_space<semaphore_mem>>) src(%dma_wait3A_85 : memref<507904x128xf32, #tpu.memory_space<hbm>>) dst(%arg10 : memref<128x128xf32, #tpu.memory_space<vmem>>)
    %dma_wait3A_86 = arith.constant 2 : i32
    %dma_wait3A_87 = arith.constant 0 : i32
    %dma_wait3A_88 = tpu.memref_slice %arg9[%dma_wait3A_86, %dma_wait3A_87] : memref<4x128xi32, #tpu.memory_space<vmem>> -> memref<1x128xi32, #tpu.memory_space<vmem>>
    %dma_wait3A_89 = tpu.memref_squeeze %dma_wait3A_88 : memref<1x128xi32, #tpu.memory_space<vmem>> -> memref<128xi32, #tpu.memory_space<vmem>>
    %dma_wait3A_90 = arith.constant 0 : i32
    %dma_wait3A_91 = arith.constant 0 : i32
    %dma_wait3A_92 = tpu.memref_slice %arg5[%dma_wait3A_90, %dma_wait3A_91] : memref<32768x128xf32, #tpu.memory_space<hbm>> -> memref<32768x128xf32, #tpu.memory_space<hbm>>
    tpu.wait_indirect_dma semaphore(%arg15 : memref<!tpu.dma_semaphore, #tpu.memory_space<semaphore_mem>>) src(%dma_wait3A_92 : memref<32768x128xf32, #tpu.memory_space<hbm>>) dst(%arg12 : memref<128x128xf32, #tpu.memory_space<vmem>>)
    %dma_start3A_93 = arith.constant 3 : i32
    %dma_start3A_94 = arith.constant 0 : i32
    %dma_start3A_95 = tpu.memref_slice %arg8[%dma_start3A_93, %dma_start3A_94] : memref<4x128xi32, #tpu.memory_space<vmem>> -> memref<1x128xi32, #tpu.memory_space<vmem>>
    %dma_start3A_96 = tpu.memref_squeeze %dma_start3A_95 : memref<1x128xi32, #tpu.memory_space<vmem>> -> memref<128xi32, #tpu.memory_space<vmem>>
    %dma_start3A_97 = arith.constant 0 : i32
    %dma_start3A_98 = arith.constant 0 : i32
    %dma_start3A_99 = tpu.memref_slice %arg4[%dma_start3A_97, %dma_start3A_98] : memref<507904x128xf32, #tpu.memory_space<hbm>> -> memref<507904x128xf32, #tpu.memory_space<hbm>>
    tpu.enqueue_indirect_dma source(%dma_start3A_99 : memref<507904x128xf32, #tpu.memory_space<hbm>>) target(%arg11 : memref<128x128xf32, #tpu.memory_space<vmem>>) offsets(%dma_start3A_96 : memref<128xi32, #tpu.memory_space<vmem>>) semaphore(%arg14 : memref<!tpu.dma_semaphore, #tpu.memory_space<semaphore_mem>>)
    %dma_start3A_100 = arith.constant 3 : i32
    %dma_start3A_101 = arith.constant 0 : i32
    %dma_start3A_102 = tpu.memref_slice %arg9[%dma_start3A_100, %dma_start3A_101] : memref<4x128xi32, #tpu.memory_space<vmem>> -> memref<1x128xi32, #tpu.memory_space<vmem>>
    %dma_start3A_103 = tpu.memref_squeeze %dma_start3A_102 : memref<1x128xi32, #tpu.memory_space<vmem>> -> memref<128xi32, #tpu.memory_space<vmem>>
    %dma_start3A_104 = arith.constant 0 : i32
    %dma_start3A_105 = arith.constant 0 : i32
    %dma_start3A_106 = tpu.memref_slice %arg5[%dma_start3A_104, %dma_start3A_105] : memref<32768x128xf32, #tpu.memory_space<hbm>> -> memref<32768x128xf32, #tpu.memory_space<hbm>>
    tpu.enqueue_indirect_dma source(%dma_start3A_106 : memref<32768x128xf32, #tpu.memory_space<hbm>>) target(%arg13 : memref<128x128xf32, #tpu.memory_space<vmem>>) offsets(%dma_start3A_103 : memref<128xi32, #tpu.memory_space<vmem>>) semaphore(%arg15 : memref<!tpu.dma_semaphore, #tpu.memory_space<semaphore_mem>>)
    %add3A_107 = arith.constant 256 : i32
    %add3A_108 = arith.addi %mul3A_2, %add3A_107 : i32
    "tpu.region"() ({
      %run_scoped3A = tpu.sem_alloc : memref<!tpu.dma_semaphore, #tpu.memory_space<semaphore_mem>>
      %dma_start3A_125 = arith.constant 0 : i32
      %dma_start3A_126 = tpu.memref_slice %arg6[%add3A_108, %dma_start3A_125] : memref<16384x128xf32, #tpu.memory_space<hbm>> -> memref<128x128xf32, #tpu.memory_space<hbm>>
      %dma_start3A_127 = arith.constant 0 : i32
      %dma_start3A_128 = tpu.memref_slice %arg6[%add3A_108, %dma_start3A_127] : memref<16384x128xf32, #tpu.memory_space<hbm>> -> memref<128x128xf32, #tpu.memory_space<hbm>>
      tpu.enqueue_dma source(%arg10 : memref<128x128xf32, #tpu.memory_space<vmem>>) target(%dma_start3A_128 : memref<128x128xf32, #tpu.memory_space<hbm>>) target_semaphore(%run_scoped3A : memref<!tpu.dma_semaphore, #tpu.memory_space<semaphore_mem>>)
      %dma_wait3A_129 = arith.constant 0 : i32
      %dma_wait3A_130 = tpu.memref_slice %arg6[%add3A_108, %dma_wait3A_129] : memref<16384x128xf32, #tpu.memory_space<hbm>> -> memref<128x128xf32, #tpu.memory_space<hbm>>
      %dma_wait3A_131 = arith.constant 0 : i32
      %dma_wait3A_132 = tpu.memref_slice %arg6[%add3A_108, %dma_wait3A_131] : memref<16384x128xf32, #tpu.memory_space<hbm>> -> memref<128x128xf32, #tpu.memory_space<hbm>>
      tpu.wait_dma2 semaphore(%run_scoped3A : memref<!tpu.dma_semaphore, #tpu.memory_space<semaphore_mem>>) src(%arg10 : memref<128x128xf32, #tpu.memory_space<vmem>>) dst(%dma_wait3A_132 : memref<128x128xf32, #tpu.memory_space<hbm>>)
      tpu.yield
    }) : () -> ()
    "tpu.region"() ({
      %run_scoped3A = tpu.sem_alloc : memref<!tpu.dma_semaphore, #tpu.memory_space<semaphore_mem>>
      %dma_start3A_125 = arith.constant 0 : i32
      %dma_start3A_126 = tpu.memref_slice %arg7[%add3A_108, %dma_start3A_125] : memref<16384x128xf32, #tpu.memory_space<hbm>> -> memref<128x128xf32, #tpu.memory_space<hbm>>
      %dma_start3A_127 = arith.constant 0 : i32
      %dma_start3A_128 = tpu.memref_slice %arg7[%add3A_108, %dma_start3A_127] : memref<16384x128xf32, #tpu.memory_space<hbm>> -> memref<128x128xf32, #tpu.memory_space<hbm>>
      tpu.enqueue_dma source(%arg12 : memref<128x128xf32, #tpu.memory_space<vmem>>) target(%dma_start3A_128 : memref<128x128xf32, #tpu.memory_space<hbm>>) target_semaphore(%run_scoped3A : memref<!tpu.dma_semaphore, #tpu.memory_space<semaphore_mem>>)
      %dma_wait3A_129 = arith.constant 0 : i32
      %dma_wait3A_130 = tpu.memref_slice %arg7[%add3A_108, %dma_wait3A_129] : memref<16384x128xf32, #tpu.memory_space<hbm>> -> memref<128x128xf32, #tpu.memory_space<hbm>>
      %dma_wait3A_131 = arith.constant 0 : i32
      %dma_wait3A_132 = tpu.memref_slice %arg7[%add3A_108, %dma_wait3A_131] : memref<16384x128xf32, #tpu.memory_space<hbm>> -> memref<128x128xf32, #tpu.memory_space<hbm>>
      tpu.wait_dma2 semaphore(%run_scoped3A : memref<!tpu.dma_semaphore, #tpu.memory_space<semaphore_mem>>) src(%arg12 : memref<128x128xf32, #tpu.memory_space<vmem>>) dst(%dma_wait3A_132 : memref<128x128xf32, #tpu.memory_space<hbm>>)
      tpu.yield
    }) : () -> ()
    %dma_wait3A_109 = arith.constant 3 : i32
    %dma_wait3A_110 = arith.constant 0 : i32
    %dma_wait3A_111 = tpu.memref_slice %arg8[%dma_wait3A_109, %dma_wait3A_110] : memref<4x128xi32, #tpu.memory_space<vmem>> -> memref<1x128xi32, #tpu.memory_space<vmem>>
    %dma_wait3A_112 = tpu.memref_squeeze %dma_wait3A_111 : memref<1x128xi32, #tpu.memory_space<vmem>> -> memref<128xi32, #tpu.memory_space<vmem>>
    %dma_wait3A_113 = arith.constant 0 : i32
    %dma_wait3A_114 = arith.constant 0 : i32
    %dma_wait3A_115 = tpu.memref_slice %arg4[%dma_wait3A_113, %dma_wait3A_114] : memref<507904x128xf32, #tpu.memory_space<hbm>> -> memref<507904x128xf32, #tpu.memory_space<hbm>>
    tpu.wait_indirect_dma semaphore(%arg14 : memref<!tpu.dma_semaphore, #tpu.memory_space<semaphore_mem>>) src(%dma_wait3A_115 : memref<507904x128xf32, #tpu.memory_space<hbm>>) dst(%arg11 : memref<128x128xf32, #tpu.memory_space<vmem>>)
    %dma_wait3A_116 = arith.constant 3 : i32
    %dma_wait3A_117 = arith.constant 0 : i32
    %dma_wait3A_118 = tpu.memref_slice %arg9[%dma_wait3A_116, %dma_wait3A_117] : memref<4x128xi32, #tpu.memory_space<vmem>> -> memref<1x128xi32, #tpu.memory_space<vmem>>
    %dma_wait3A_119 = tpu.memref_squeeze %dma_wait3A_118 : memref<1x128xi32, #tpu.memory_space<vmem>> -> memref<128xi32, #tpu.memory_space<vmem>>
    %dma_wait3A_120 = arith.constant 0 : i32
    %dma_wait3A_121 = arith.constant 0 : i32
    %dma_wait3A_122 = tpu.memref_slice %arg5[%dma_wait3A_120, %dma_wait3A_121] : memref<32768x128xf32, #tpu.memory_space<hbm>> -> memref<32768x128xf32, #tpu.memory_space<hbm>>
    tpu.wait_indirect_dma semaphore(%arg15 : memref<!tpu.dma_semaphore, #tpu.memory_space<semaphore_mem>>) src(%dma_wait3A_122 : memref<32768x128xf32, #tpu.memory_space<hbm>>) dst(%arg13 : memref<128x128xf32, #tpu.memory_space<vmem>>)
    %add3A_123 = arith.constant 384 : i32
    %add3A_124 = arith.addi %mul3A_2, %add3A_123 : i32
    "tpu.region"() ({
      %run_scoped3A = tpu.sem_alloc : memref<!tpu.dma_semaphore, #tpu.memory_space<semaphore_mem>>
      %dma_start3A_125 = arith.constant 0 : i32
      %dma_start3A_126 = tpu.memref_slice %arg6[%add3A_124, %dma_start3A_125] : memref<16384x128xf32, #tpu.memory_space<hbm>> -> memref<128x128xf32, #tpu.memory_space<hbm>>
      %dma_start3A_127 = arith.constant 0 : i32
      %dma_start3A_128 = tpu.memref_slice %arg6[%add3A_124, %dma_start3A_127] : memref<16384x128xf32, #tpu.memory_space<hbm>> -> memref<128x128xf32, #tpu.memory_space<hbm>>
      tpu.enqueue_dma source(%arg11 : memref<128x128xf32, #tpu.memory_space<vmem>>) target(%dma_start3A_128 : memref<128x128xf32, #tpu.memory_space<hbm>>) target_semaphore(%run_scoped3A : memref<!tpu.dma_semaphore, #tpu.memory_space<semaphore_mem>>)
      %dma_wait3A_129 = arith.constant 0 : i32
      %dma_wait3A_130 = tpu.memref_slice %arg6[%add3A_124, %dma_wait3A_129] : memref<16384x128xf32, #tpu.memory_space<hbm>> -> memref<128x128xf32, #tpu.memory_space<hbm>>
      %dma_wait3A_131 = arith.constant 0 : i32
      %dma_wait3A_132 = tpu.memref_slice %arg6[%add3A_124, %dma_wait3A_131] : memref<16384x128xf32, #tpu.memory_space<hbm>> -> memref<128x128xf32, #tpu.memory_space<hbm>>
      tpu.wait_dma2 semaphore(%run_scoped3A : memref<!tpu.dma_semaphore, #tpu.memory_space<semaphore_mem>>) src(%arg11 : memref<128x128xf32, #tpu.memory_space<vmem>>) dst(%dma_wait3A_132 : memref<128x128xf32, #tpu.memory_space<hbm>>)
      tpu.yield
    }) : () -> ()
    "tpu.region"() ({
      %run_scoped3A = tpu.sem_alloc : memref<!tpu.dma_semaphore, #tpu.memory_space<semaphore_mem>>
      %dma_start3A_125 = arith.constant 0 : i32
      %dma_start3A_126 = tpu.memref_slice %arg7[%add3A_124, %dma_start3A_125] : memref<16384x128xf32, #tpu.memory_space<hbm>> -> memref<128x128xf32, #tpu.memory_space<hbm>>
      %dma_start3A_127 = arith.constant 0 : i32
      %dma_start3A_128 = tpu.memref_slice %arg7[%add3A_124, %dma_start3A_127] : memref<16384x128xf32, #tpu.memory_space<hbm>> -> memref<128x128xf32, #tpu.memory_space<hbm>>
      tpu.enqueue_dma source(%arg13 : memref<128x128xf32, #tpu.memory_space<vmem>>) target(%dma_start3A_128 : memref<128x128xf32, #tpu.memory_space<hbm>>) target_semaphore(%run_scoped3A : memref<!tpu.dma_semaphore, #tpu.memory_space<semaphore_mem>>)
      %dma_wait3A_129 = arith.constant 0 : i32
      %dma_wait3A_130 = tpu.memref_slice %arg7[%add3A_124, %dma_wait3A_129] : memref<16384x128xf32, #tpu.memory_space<hbm>> -> memref<128x128xf32, #tpu.memory_space<hbm>>
      %dma_wait3A_131 = arith.constant 0 : i32
      %dma_wait3A_132 = tpu.memref_slice %arg7[%add3A_124, %dma_wait3A_131] : memref<16384x128xf32, #tpu.memory_space<hbm>> -> memref<128x128xf32, #tpu.memory_space<hbm>>
      tpu.wait_dma2 semaphore(%run_scoped3A : memref<!tpu.dma_semaphore, #tpu.memory_space<semaphore_mem>>) src(%arg13 : memref<128x128xf32, #tpu.memory_space<vmem>>) dst(%dma_wait3A_132 : memref<128x128xf32, #tpu.memory_space<hbm>>)
      tpu.yield
    }) : () -> ()
    return
  }
}

module attributes {stable_mosaic.version = 14 : i64} {
  func.func @_tr_pair_body(%arg0: i32, %arg1: memref<64x8192xf32, #tpu.memory_space<vmem>>, %arg2: memref<64x8192xf32, #tpu.memory_space<vmem>>, %arg3: memref<8192x128xf32, #tpu.memory_space<vmem>>) attributes {dimension_semantics = [#tpu.dimension_semantics<arbitrary>], iteration_bounds = array<i64: 62>, scalar_prefetch = 0 : i64, scratch_operands = 0 : i64, tpu.core_type = #tpu.core_type<tc>, window_params = [{transform_indices = @transform_0, window_bounds = array<i64: 64, 8192>}, {transform_indices = @transform_1, window_bounds = array<i64: 64, 8192>}, {transform_indices = @transform_2, window_bounds = array<i64: 8192, 128>}]} {
    %get3A = arith.constant 0 : index
    %get3A_0 = arith.constant 0 : index
    %get3A_1 = vector.load %arg1[%get3A, %get3A_0] : memref<64x8192xf32, #tpu.memory_space<vmem>>, vector<64x8192xf32>
    %transpose3A = tpu.transpose %get3A_1, [1, 0] : vector<64x8192xf32> -> vector<8192x64xf32>
    %get3A_2 = arith.constant 0 : index
    %get3A_3 = arith.constant 0 : index
    %get3A_4 = vector.load %arg2[%get3A_2, %get3A_3] : memref<64x8192xf32, #tpu.memory_space<vmem>>, vector<64x8192xf32>
    %transpose3A_5 = tpu.transpose %get3A_4, [1, 0] : vector<64x8192xf32> -> vector<8192x64xf32>
    %concatenate3A = tpu.concatenate %transpose3A, %transpose3A_5 in 1 : vector<8192x64xf32>, vector<8192x64xf32> -> vector<8192x128xf32>
    %swap3A = arith.constant 0 : index
    %swap3A_6 = arith.constant 0 : index
    %swap3A_7 = vector.load %arg3[%swap3A, %swap3A_6] : memref<8192x128xf32, #tpu.memory_space<vmem>>, vector<8192x128xf32>
    tpu.vector_store %arg3[%swap3A, %swap3A_6], %concatenate3A {strides = array<i32>} : memref<8192x128xf32, #tpu.memory_space<vmem>>, vector<8192x128xf32>,
    return
  }
  func.func @transform_0(%arg0: i32) -> (i32, i32) {
    %eq3A = arith.constant 61 : i32
    %eq3A_0 = arith.cmpi eq, %arg0, %eq3A : i32
    %jit3A = arith.constant 122 : i32
    %select_n3A = arith.select %eq3A_0, %jit3A, %arg0 : i32
    %c0_i32 = arith.constant 0 : i32
    %c0_i32_1 = arith.constant 0 : i32
    return %c0_i32, %select_n3A : i32, i32
  }
  func.func @transform_1(%arg0: i32) -> (i32, i32) {
    %eq3A = arith.constant 61 : i32
    %eq3A_0 = arith.cmpi eq, %arg0, %eq3A : i32
    %add3A = arith.constant 62 : i32
    %add3A_1 = arith.addi %arg0, %add3A : i32
    %sub3A = arith.constant 1 : i32
    %sub3A_2 = arith.subi %add3A_1, %sub3A : i32
    %jit3A = arith.constant 122 : i32
    %select_n3A = arith.select %eq3A_0, %jit3A, %sub3A_2 : i32
    %c0_i32 = arith.constant 0 : i32
    %c0_i32_3 = arith.constant 0 : i32
    return %c0_i32, %select_n3A : i32, i32
  }
  func.func @transform_2(%arg0: i32) -> (i32, i32) {
    %c0_i32 = arith.constant 0 : i32
    %c0_i32_0 = arith.constant 0 : i32
    return %arg0, %c0_i32 : i32, i32
  }
}

module attributes {stable_mosaic.version = 14 : i64} {
  func.func @_tr_quad_body(%arg0: i32, %arg1: memref<32x8192xf32, #tpu.memory_space<vmem>>, %arg2: memref<32x8192xf32, #tpu.memory_space<vmem>>, %arg3: memref<32x8192xf32, #tpu.memory_space<vmem>>, %arg4: memref<32x8192xf32, #tpu.memory_space<vmem>>, %arg5: memref<8192x128xf32, #tpu.memory_space<vmem>>) attributes {dimension_semantics = [#tpu.dimension_semantics<arbitrary>], iteration_bounds = array<i64: 4>, scalar_prefetch = 0 : i64, scratch_operands = 0 : i64, tpu.core_type = #tpu.core_type<tc>, window_params = [{transform_indices = @transform_0, window_bounds = array<i64: 32, 8192>}, {transform_indices = @transform_1, window_bounds = array<i64: 32, 8192>}, {transform_indices = @transform_2, window_bounds = array<i64: 32, 8192>}, {transform_indices = @transform_3, window_bounds = array<i64: 32, 8192>}, {transform_indices = @transform_4, window_bounds = array<i64: 8192, 128>}]} {
    %get3A = arith.constant 0 : index
    %get3A_0 = arith.constant 0 : index
    %get3A_1 = vector.load %arg1[%get3A, %get3A_0] : memref<32x8192xf32, #tpu.memory_space<vmem>>, vector<32x8192xf32>
    %transpose3A = tpu.transpose %get3A_1, [1, 0] : vector<32x8192xf32> -> vector<8192x32xf32>
    %get3A_2 = arith.constant 0 : index
    %get3A_3 = arith.constant 0 : index
    %get3A_4 = vector.load %arg2[%get3A_2, %get3A_3] : memref<32x8192xf32, #tpu.memory_space<vmem>>, vector<32x8192xf32>
    %transpose3A_5 = tpu.transpose %get3A_4, [1, 0] : vector<32x8192xf32> -> vector<8192x32xf32>
    %get3A_6 = arith.constant 0 : index
    %get3A_7 = arith.constant 0 : index
    %get3A_8 = vector.load %arg3[%get3A_6, %get3A_7] : memref<32x8192xf32, #tpu.memory_space<vmem>>, vector<32x8192xf32>
    %transpose3A_9 = tpu.transpose %get3A_8, [1, 0] : vector<32x8192xf32> -> vector<8192x32xf32>
    %get3A_10 = arith.constant 0 : index
    %get3A_11 = arith.constant 0 : index
    %get3A_12 = vector.load %arg4[%get3A_10, %get3A_11] : memref<32x8192xf32, #tpu.memory_space<vmem>>, vector<32x8192xf32>
    %transpose3A_13 = tpu.transpose %get3A_12, [1, 0] : vector<32x8192xf32> -> vector<8192x32xf32>
    %concatenate3A = tpu.concatenate %transpose3A, %transpose3A_5, %transpose3A_9, %transpose3A_13 in 1 : vector<8192x32xf32>, vector<8192x32xf32>, vector<8192x32xf32>, vector<8192x32xf32> -> vector<8192x128xf32>
    %swap3A = arith.constant 0 : index
    %swap3A_14 = arith.constant 0 : index
    %swap3A_15 = vector.load %arg5[%swap3A, %swap3A_14] : memref<8192x128xf32, #tpu.memory_space<vmem>>, vector<8192x128xf32>
    tpu.vector_store %arg5[%swap3A, %swap3A_14], %concatenate3A {strides = array<i32>} : memref<8192x128xf32, #tpu.memory_space<vmem>>, vector<8192x128xf32>,
    return
  }
  func.func @transform_0(%arg0: i32) -> (i32, i32) {
    %eq3A = arith.constant 3 : i32
    %eq3A_0 = arith.cmpi eq, %arg0, %eq3A : i32
    %add3A = arith.constant 0 : i32
    %add3A_1 = arith.addi %arg0, %add3A : i32
    %jit3A = arith.constant 12 : i32
    %select_n3A = arith.select %eq3A_0, %jit3A, %add3A_1 : i32
    %c0_i32 = arith.constant 0 : i32
    %c0_i32_2 = arith.constant 0 : i32
    return %c0_i32, %select_n3A : i32, i32
  }
  func.func @transform_1(%arg0: i32) -> (i32, i32) {
    %eq3A = arith.constant 3 : i32
    %eq3A_0 = arith.cmpi eq, %arg0, %eq3A : i32
    %add3A = arith.constant 3 : i32
    %add3A_1 = arith.addi %arg0, %add3A : i32
    %jit3A = arith.constant 12 : i32
    %select_n3A = arith.select %eq3A_0, %jit3A, %add3A_1 : i32
    %c0_i32 = arith.constant 0 : i32
    %c0_i32_2 = arith.constant 0 : i32
    return %c0_i32, %select_n3A : i32, i32
  }
  func.func @transform_2(%arg0: i32) -> (i32, i32) {
    %eq3A = arith.constant 3 : i32
    %eq3A_0 = arith.cmpi eq, %arg0, %eq3A : i32
    %add3A = arith.constant 6 : i32
    %add3A_1 = arith.addi %arg0, %add3A : i32
    %jit3A = arith.constant 12 : i32
    %select_n3A = arith.select %eq3A_0, %jit3A, %add3A_1 : i32
    %c0_i32 = arith.constant 0 : i32
    %c0_i32_2 = arith.constant 0 : i32
    return %c0_i32, %select_n3A : i32, i32
  }
  func.func @transform_3(%arg0: i32) -> (i32, i32) {
    %eq3A = arith.constant 3 : i32
    %eq3A_0 = arith.cmpi eq, %arg0, %eq3A : i32
    %add3A = arith.constant 9 : i32
    %add3A_1 = arith.addi %arg0, %add3A : i32
    %jit3A = arith.constant 12 : i32
    %select_n3A = arith.select %eq3A_0, %jit3A, %add3A_1 : i32
    %c0_i32 = arith.constant 0 : i32
    %c0_i32_2 = arith.constant 0 : i32
    return %c0_i32, %select_n3A : i32, i32
  }
  func.func @transform_4(%arg0: i32) -> (i32, i32) {
    %c0_i32 = arith.constant 0 : i32
    %c0_i32_0 = arith.constant 0 : i32
    return %arg0, %c0_i32 : i32, i32
  }
}

module attributes {stable_mosaic.version = 14 : i64} {
  func.func @_tc_body(%arg0: i32, %arg1: memref<2048x8xi32, #tpu.memory_space<vmem>>, %arg2: memref<2048x128xf32, #tpu.memory_space<vmem>>, %arg3: memref<2048x128xf32, #tpu.memory_space<vmem>>, %arg4: memref<128x64xf32, #tpu.memory_space<vmem>>, %arg5: memref<128x64xf32, #tpu.memory_space<vmem>>, %arg6: memref<4x128x64xf32, #tpu.memory_space<vmem>>, %arg7: memref<128x64xf32, #tpu.memory_space<vmem>>, %arg8: memref<1x64xf32, #tpu.memory_space<vmem>>, %arg9: memref<64x32xf32, #tpu.memory_space<vmem>>, %arg10: memref<1x32xf32, #tpu.memory_space<vmem>>, %arg11: memref<2048x32xf32, #tpu.memory_space<vmem>>) attributes {dimension_semantics = [#tpu.dimension_semantics<arbitrary>], iteration_bounds = array<i64: 8>, scalar_prefetch = 0 : i64, scratch_operands = 0 : i64, tpu.core_type = #tpu.core_type<tc>, window_params = [{transform_indices = @transform_0, window_bounds = array<i64: 2048, 8>}, {transform_indices = @transform_1, window_bounds = array<i64: 2048, 128>}, {transform_indices = @transform_2, window_bounds = array<i64: 2048, 128>}, {pipeline_mode = #tpu.pipeline_mode<synchronous>, transform_indices = @transform_3, window_bounds = array<i64: 128, 64>}, {pipeline_mode = #tpu.pipeline_mode<synchronous>, transform_indices = @transform_4, window_bounds = array<i64: 128, 64>}, {pipeline_mode = #tpu.pipeline_mode<synchronous>, transform_indices = @transform_5, window_bounds = array<i64: 4, 128, 64>}, {pipeline_mode = #tpu.pipeline_mode<synchronous>, transform_indices = @transform_6, window_bounds = array<i64: 128, 64>}, {pipeline_mode = #tpu.pipeline_mode<synchronous>, transform_indices = @transform_7, window_bounds = array<i64: 1, 64>}, {pipeline_mode = #tpu.pipeline_mode<synchronous>, transform_indices = @transform_8, window_bounds = array<i64: 64, 32>}, {pipeline_mode = #tpu.pipeline_mode<synchronous>, transform_indices = @transform_9, window_bounds = array<i64: 1, 32>}, {transform_indices = @transform_10, window_bounds = array<i64: 2048, 32>}]} {
    %get3A = arith.constant 0 : index
    %get3A_0 = arith.constant 0 : index
    %get3A_1 = vector.load %arg1[%get3A, %get3A_0] : memref<2048x8xi32, #tpu.memory_space<vmem>>, vector<2048x1xi32>
    %get3A_2 = arith.constant 0 : index
    %get3A_3 = arith.constant 1 : index
    %get3A_4 = vector.load %arg1[%get3A_2, %get3A_3] : memref<2048x8xi32, #tpu.memory_space<vmem>>, vector<2048x1xi32>
    %get3A_5 = arith.constant 0 : index
    %get3A_6 = arith.constant 2 : index
    %get3A_7 = vector.load %arg1[%get3A_5, %get3A_6] : memref<2048x8xi32, #tpu.memory_space<vmem>>, vector<2048x1xi32>
    %get3A_8 = arith.constant 0 : index
    %get3A_9 = arith.constant 3 : index
    %get3A_10 = vector.load %arg1[%get3A_8, %get3A_9] : memref<2048x8xi32, #tpu.memory_space<vmem>>, vector<2048x1xi32>
    %get3A_11 = arith.constant 0 : index
    %get3A_12 = arith.constant 4 : index
    %get3A_13 = vector.load %arg1[%get3A_11, %get3A_12] : memref<2048x8xi32, #tpu.memory_space<vmem>>, vector<2048x1xi32>
    %get3A_14 = arith.constant 0 : index
    %get3A_15 = arith.constant 5 : index
    %get3A_16 = vector.load %arg1[%get3A_14, %get3A_15] : memref<2048x8xi32, #tpu.memory_space<vmem>>, vector<2048x1xi32>
    %get3A_17 = arith.constant 0 : index
    %get3A_18 = arith.constant 6 : index
    %get3A_19 = vector.load %arg1[%get3A_17, %get3A_18] : memref<2048x8xi32, #tpu.memory_space<vmem>>, vector<2048x1xi32>
    %mul3A = arith.constant 24 : i32
    %mul3A_20 = vector.broadcast %mul3A : i32 to vector<2048x1xi32>
    %mul3A_21 = arith.muli %get3A_10, %mul3A_20 : vector<2048x1xi32>
    %add3A = arith.addi %mul3A_21, %get3A_13 : vector<2048x1xi32>
    %rem3A = arith.constant 34 : i32
    %rem3A_22 = vector.broadcast %rem3A : i32 to vector<2048x1xi32>
    %rem3A_23 = arith.remsi %add3A, %rem3A_22 : vector<2048x1xi32>
    %iota3A = tpu.iota {dimensions = array<i32: 1>} : vector<2048x128xi32>
    %eq3A = vector.broadcast %get3A_1 : vector<2048x1xi32> to vector<2048x128xi32>
    %eq3A_24 = arith.cmpi eq, %iota3A, %eq3A : vector<2048x128xi32>
    %add3A_25 = arith.constant 2 : i32
    %add3A_26 = vector.broadcast %add3A_25 : i32 to vector<2048x1xi32>
    %add3A_27 = arith.addi %get3A_4, %add3A_26 : vector<2048x1xi32>
    %eq3A_28 = vector.broadcast %add3A_27 : vector<2048x1xi32> to vector<2048x128xi32>
    %eq3A_29 = arith.cmpi eq, %iota3A, %eq3A_28 : vector<2048x128xi32>
    %or3A = arith.ori %eq3A_24, %eq3A_29 : vector<2048x128xi1>
    %add3A_30 = arith.constant 24 : i32
    %add3A_31 = vector.broadcast %add3A_30 : i32 to vector<2048x1xi32>
    %add3A_32 = arith.addi %get3A_7, %add3A_31 : vector<2048x1xi32>
    %eq3A_33 = vector.broadcast %add3A_32 : vector<2048x1xi32> to vector<2048x128xi32>
    %eq3A_34 = arith.cmpi eq, %iota3A, %eq3A_33 : vector<2048x128xi32>
    %or3A_35 = arith.ori %or3A, %eq3A_34 : vector<2048x128xi1>
    %add3A_36 = arith.constant 31 : i32
    %add3A_37 = vector.broadcast %add3A_36 : i32 to vector<2048x1xi32>
    %add3A_38 = arith.addi %get3A_10, %add3A_37 : vector<2048x1xi32>
    %eq3A_39 = vector.broadcast %add3A_38 : vector<2048x1xi32> to vector<2048x128xi32>
    %eq3A_40 = arith.cmpi eq, %iota3A, %eq3A_39 : vector<2048x128xi32>
    %or3A_41 = arith.ori %or3A_35, %eq3A_40 : vector<2048x128xi1>
    %add3A_42 = arith.constant 38 : i32
    %add3A_43 = vector.broadcast %add3A_42 : i32 to vector<2048x1xi32>
    %add3A_44 = arith.addi %get3A_13, %add3A_43 : vector<2048x1xi32>
    %eq3A_45 = vector.broadcast %add3A_44 : vector<2048x1xi32> to vector<2048x128xi32>
    %eq3A_46 = arith.cmpi eq, %iota3A, %eq3A_45 : vector<2048x128xi32>
    %or3A_47 = arith.ori %or3A_41, %eq3A_46 : vector<2048x128xi1>
    %add3A_48 = arith.constant 62 : i32
    %add3A_49 = vector.broadcast %add3A_48 : i32 to vector<2048x1xi32>
    %add3A_50 = arith.addi %rem3A_23, %add3A_49 : vector<2048x1xi32>
    %eq3A_51 = vector.broadcast %add3A_50 : vector<2048x1xi32> to vector<2048x128xi32>
    %eq3A_52 = arith.cmpi eq, %iota3A, %eq3A_51 : vector<2048x128xi32>
    %or3A_53 = arith.ori %or3A_47, %eq3A_52 : vector<2048x128xi1>
    %convert_element_type3A = arith.extui %or3A_53 : vector<2048x128xi1> to vector<2048x128xi32>
    %convert_element_type3A_54 = arith.sitofp %convert_element_type3A : vector<2048x128xi32> to vector<2048x128xf32>
    %get3A_55 = arith.constant 0 : index
    %get3A_56 = arith.constant 0 : index
    %get3A_57 = vector.load %arg2[%get3A_55, %get3A_56] : memref<2048x128xf32, #tpu.memory_space<vmem>>, vector<2048x128xf32>
    %get3A_58 = arith.constant 0 : index
    %get3A_59 = arith.constant 0 : index
    %get3A_60 = vector.load %arg3[%get3A_58, %get3A_59] : memref<2048x128xf32, #tpu.memory_space<vmem>>, vector<2048x128xf32>
    %eq3A_61 = arith.constant 1 : i32
    %eq3A_62 = vector.broadcast %eq3A_61 : i32 to vector<2048x1xi32>
    %eq3A_63 = arith.cmpi eq, %get3A_16, %eq3A_62 : vector<2048x1xi32>
    %convert_element_type3A_64 = arith.extui %eq3A_63 : vector<2048x1xi1> to vector<2048x1xi32>
    %convert_element_type3A_65 = arith.sitofp %convert_element_type3A_64 : vector<2048x1xi32> to vector<2048x1xf32>
    %get3A_66 = arith.constant 0 : index
    %get3A_67 = arith.constant 0 : index
    %get3A_68 = vector.load %arg4[%get3A_66, %get3A_67] : memref<128x64xf32, #tpu.memory_space<vmem>>, vector<128x64xf32>
    %dot_general3A = arith.constant dense<0.000000e+00> : vector<2048x64xf32>
    %dot_general3A_69 = tpu.matmul %get3A_57, %get3A_68, %dot_general3A {dimension_numbers = #tpu.dot_dimension_numbers<[1], [0], [0], [1], [0, 0, 1, 1], [], []>, transpose_lhs_hint = false} : vector<2048x128xf32>, vector<128x64xf32>, vector<2048x64xf32> -> vector<2048x64xf32>
    %sub3A = arith.constant 1.000000e+00 : f32
    %sub3A_70 = vector.broadcast %sub3A : f32 to vector<2048x1xf32>
    %sub3A_71 = arith.subf %sub3A_70, %convert_element_type3A_65 : vector<2048x1xf32>
    %mul3A_72 = vector.broadcast %sub3A_71 : vector<2048x1xf32> to vector<2048x64xf32>
    %mul3A_73 = arith.mulf %dot_general3A_69, %mul3A_72 : vector<2048x64xf32>
    %get3A_74 = arith.constant 0 : index
    %get3A_75 = arith.constant 0 : index
    %get3A_76 = vector.load %arg5[%get3A_74, %get3A_75] : memref<128x64xf32, #tpu.memory_space<vmem>>, vector<128x64xf32>
    %dot_general3A_77 = arith.constant dense<0.000000e+00> : vector<2048x64xf32>
    %dot_general3A_78 = tpu.matmul %get3A_57, %get3A_76, %dot_general3A_77 {dimension_numbers = #tpu.dot_dimension_numbers<[1], [0], [0], [1], [0, 0, 1, 1], [], []>, transpose_lhs_hint = false} : vector<2048x128xf32>, vector<128x64xf32>, vector<2048x64xf32> -> vector<2048x64xf32>
    %mul3A_79 = vector.broadcast %convert_element_type3A_65 : vector<2048x1xf32> to vector<2048x64xf32>
    %mul3A_80 = arith.mulf %dot_general3A_78, %mul3A_79 : vector<2048x64xf32>
    %add3A_81 = arith.addf %mul3A_73, %mul3A_80 : vector<2048x64xf32>
    %eq3A_82 = arith.constant 0 : i32
    %eq3A_83 = vector.broadcast %eq3A_82 : i32 to vector<2048x1xi32>
    %eq3A_84 = arith.cmpi eq, %get3A_19, %eq3A_83 : vector<2048x1xi32>
    %convert_element_type3A_85 = arith.extui %eq3A_84 : vector<2048x1xi1> to vector<2048x1xi32>
    %convert_element_type3A_86 = arith.sitofp %convert_element_type3A_85 : vector<2048x1xi32> to vector<2048x1xf32>
    %get3A_87 = arith.constant 0 : index
    %get3A_88 = arith.constant 0 : index
    %get3A_89 = arith.constant 0 : index
    %get3A_90 = vector.load %arg6[%get3A_87, %get3A_88, %get3A_89] : memref<4x128x64xf32, #tpu.memory_space<vmem>>, vector<1x128x64xf32>
    %get3A_91 = vector.shape_cast %get3A_90 : vector<1x128x64xf32> to vector<128x64xf32>
    %dot_general3A_92 = arith.constant dense<0.000000e+00> : vector<2048x64xf32>
    %dot_general3A_93 = tpu.matmul %get3A_60, %get3A_91, %dot_general3A_92 {dimension_numbers = #tpu.dot_dimension_numbers<[1], [0], [0], [1], [0, 0, 1, 1], [], []>, transpose_lhs_hint = false} : vector<2048x128xf32>, vector<128x64xf32>, vector<2048x64xf32> -> vector<2048x64xf32>
    %mul3A_94 = vector.broadcast %convert_element_type3A_86 : vector<2048x1xf32> to vector<2048x64xf32>
    %mul3A_95 = arith.mulf %mul3A_94, %dot_general3A_93 : vector<2048x64xf32>
    %add3A_96 = arith.constant 0.000000e+00 : f32
    %add3A_97 = vector.broadcast %add3A_96 : f32 to vector<2048x64xf32>
    %add3A_98 = arith.addf %add3A_97, %mul3A_95 : vector<2048x64xf32>
    %eq3A_99 = arith.constant 1 : i32
    %eq3A_100 = vector.broadcast %eq3A_99 : i32 to vector<2048x1xi32>
    %eq3A_101 = arith.cmpi eq, %get3A_19, %eq3A_100 : vector<2048x1xi32>
    %convert_element_type3A_102 = arith.extui %eq3A_101 : vector<2048x1xi1> to vector<2048x1xi32>
    %convert_element_type3A_103 = arith.sitofp %convert_element_type3A_102 : vector<2048x1xi32> to vector<2048x1xf32>
    %get3A_104 = arith.constant 1 : index
    %get3A_105 = arith.constant 0 : index
    %get3A_106 = arith.constant 0 : index
    %get3A_107 = vector.load %arg6[%get3A_104, %get3A_105, %get3A_106] : memref<4x128x64xf32, #tpu.memory_space<vmem>>, vector<1x128x64xf32>
    %get3A_108 = vector.shape_cast %get3A_107 : vector<1x128x64xf32> to vector<128x64xf32>
    %dot_general3A_109 = arith.constant dense<0.000000e+00> : vector<2048x64xf32>
    %dot_general3A_110 = tpu.matmul %get3A_60, %get3A_108, %dot_general3A_109 {dimension_numbers = #tpu.dot_dimension_numbers<[1], [0], [0], [1], [0, 0, 1, 1], [], []>, transpose_lhs_hint = false} : vector<2048x128xf32>, vector<128x64xf32>, vector<2048x64xf32> -> vector<2048x64xf32>
    %mul3A_111 = vector.broadcast %convert_element_type3A_103 : vector<2048x1xf32> to vector<2048x64xf32>
    %mul3A_112 = arith.mulf %mul3A_111, %dot_general3A_110 : vector<2048x64xf32>
    %add3A_113 = arith.addf %add3A_98, %mul3A_112 : vector<2048x64xf32>
    %eq3A_114 = arith.constant 2 : i32
    %eq3A_115 = vector.broadcast %eq3A_114 : i32 to vector<2048x1xi32>
    %eq3A_116 = arith.cmpi eq, %get3A_19, %eq3A_115 : vector<2048x1xi32>
    %convert_element_type3A_117 = arith.extui %eq3A_116 : vector<2048x1xi1> to vector<2048x1xi32>
    %convert_element_type3A_118 = arith.sitofp %convert_element_type3A_117 : vector<2048x1xi32> to vector<2048x1xf32>
    %get3A_119 = arith.constant 2 : index
    %get3A_120 = arith.constant 0 : index
    %get3A_121 = arith.constant 0 : index
    %get3A_122 = vector.load %arg6[%get3A_119, %get3A_120, %get3A_121] : memref<4x128x64xf32, #tpu.memory_space<vmem>>, vector<1x128x64xf32>
    %get3A_123 = vector.shape_cast %get3A_122 : vector<1x128x64xf32> to vector<128x64xf32>
    %dot_general3A_124 = arith.constant dense<0.000000e+00> : vector<2048x64xf32>
    %dot_general3A_125 = tpu.matmul %get3A_60, %get3A_123, %dot_general3A_124 {dimension_numbers = #tpu.dot_dimension_numbers<[1], [0], [0], [1], [0, 0, 1, 1], [], []>, transpose_lhs_hint = false} : vector<2048x128xf32>, vector<128x64xf32>, vector<2048x64xf32> -> vector<2048x64xf32>
    %mul3A_126 = vector.broadcast %convert_element_type3A_118 : vector<2048x1xf32> to vector<2048x64xf32>
    %mul3A_127 = arith.mulf %mul3A_126, %dot_general3A_125 : vector<2048x64xf32>
    %add3A_128 = arith.addf %add3A_113, %mul3A_127 : vector<2048x64xf32>
    %eq3A_129 = arith.constant 3 : i32
    %eq3A_130 = vector.broadcast %eq3A_129 : i32 to vector<2048x1xi32>
    %eq3A_131 = arith.cmpi eq, %get3A_19, %eq3A_130 : vector<2048x1xi32>
    %convert_element_type3A_132 = arith.extui %eq3A_131 : vector<2048x1xi1> to vector<2048x1xi32>
    %convert_element_type3A_133 = arith.sitofp %convert_element_type3A_132 : vector<2048x1xi32> to vector<2048x1xf32>
    %get3A_134 = arith.constant 3 : index
    %get3A_135 = arith.constant 0 : index
    %get3A_136 = arith.constant 0 : index
    %get3A_137 = vector.load %arg6[%get3A_134, %get3A_135, %get3A_136] : memref<4x128x64xf32, #tpu.memory_space<vmem>>, vector<1x128x64xf32>
    %get3A_138 = vector.shape_cast %get3A_137 : vector<1x128x64xf32> to vector<128x64xf32>
    %dot_general3A_139 = arith.constant dense<0.000000e+00> : vector<2048x64xf32>
    %dot_general3A_140 = tpu.matmul %get3A_60, %get3A_138, %dot_general3A_139 {dimension_numbers = #tpu.dot_dimension_numbers<[1], [0], [0], [1], [0, 0, 1, 1], [], []>, transpose_lhs_hint = false} : vector<2048x128xf32>, vector<128x64xf32>, vector<2048x64xf32> -> vector<2048x64xf32>
    %mul3A_141 = vector.broadcast %convert_element_type3A_133 : vector<2048x1xf32> to vector<2048x64xf32>
    %mul3A_142 = arith.mulf %mul3A_141, %dot_general3A_140 : vector<2048x64xf32>
    %add3A_143 = arith.addf %add3A_128, %mul3A_142 : vector<2048x64xf32>
    %add3A_144 = arith.addf %add3A_81, %add3A_143 : vector<2048x64xf32>
    %get3A_145 = arith.constant 0 : index
    %get3A_146 = arith.constant 0 : index
    %get3A_147 = vector.load %arg7[%get3A_145, %get3A_146] : memref<128x64xf32, #tpu.memory_space<vmem>>, vector<128x64xf32>
    %dot_general3A_148 = arith.constant dense<0.000000e+00> : vector<2048x64xf32>
    %dot_general3A_149 = tpu.matmul %convert_element_type3A_54, %get3A_147, %dot_general3A_148 {dimension_numbers = #tpu.dot_dimension_numbers<[1], [0], [0], [1], [0, 0, 1, 1], [], []>, transpose_lhs_hint = false} : vector<2048x128xf32>, vector<128x64xf32>, vector<2048x64xf32> -> vector<2048x64xf32>
    %add3A_150 = arith.addf %add3A_144, %dot_general3A_149 : vector<2048x64xf32>
    %get3A_151 = arith.constant 0 : index
    %get3A_152 = arith.constant 0 : index
    %get3A_153 = vector.load %arg8[%get3A_151, %get3A_152] : memref<1x64xf32, #tpu.memory_space<vmem>>, vector<1x64xf32>
    %add3A_154 = vector.broadcast %get3A_153 : vector<1x64xf32> to vector<2048x64xf32>
    %add3A_155 = arith.addf %add3A_150, %add3A_154 : vector<2048x64xf32>
    %max3A = arith.constant 0.000000e+00 : f32
    %max3A_156 = vector.broadcast %max3A : f32 to vector<2048x64xf32>
    %max3A_157 = arith.maximumf %add3A_155, %max3A_156 : vector<2048x64xf32>
    %get3A_158 = arith.constant 0 : index
    %get3A_159 = arith.constant 0 : index
    %get3A_160 = vector.load %arg9[%get3A_158, %get3A_159] : memref<64x32xf32, #tpu.memory_space<vmem>>, vector<64x32xf32>
    %dot_general3A_161 = arith.constant dense<0.000000e+00> : vector<2048x32xf32>
    %dot_general3A_162 = tpu.matmul %max3A_157, %get3A_160, %dot_general3A_161 {dimension_numbers = #tpu.dot_dimension_numbers<[1], [0], [0], [1], [0, 0, 1, 1], [], []>, transpose_lhs_hint = false} : vector<2048x64xf32>, vector<64x32xf32>, vector<2048x32xf32> -> vector<2048x32xf32>
    %get3A_163 = arith.constant 0 : index
    %get3A_164 = arith.constant 0 : index
    %get3A_165 = vector.load %arg10[%get3A_163, %get3A_164] : memref<1x32xf32, #tpu.memory_space<vmem>>, vector<1x32xf32>
    %add3A_166 = vector.broadcast %get3A_165 : vector<1x32xf32> to vector<2048x32xf32>
    %add3A_167 = arith.addf %dot_general3A_162, %add3A_166 : vector<2048x32xf32>
    %max3A_168 = arith.constant 0.000000e+00 : f32
    %max3A_169 = vector.broadcast %max3A_168 : f32 to vector<2048x32xf32>
    %max3A_170 = arith.maximumf %add3A_167, %max3A_169 : vector<2048x32xf32>
    %mul3A_171 = arith.mulf %max3A_170, %max3A_170 : vector<2048x32xf32>
    %reduce_sum3A = arith.constant dense<0.000000e+00> : vector<2048xf32>
    %reduce_sum3A_172 = vector.multi_reduction <add>, %mul3A_171, %reduce_sum3A [1] : vector<2048x32xf32> to vector<2048xf32>
    %broadcast_in_dim3A = vector.shape_cast %reduce_sum3A_172 : vector<2048xf32> to vector<2048x1xf32>
    %max3A_173 = arith.constant 9.99999996E-13 : f32
    %max3A_174 = vector.broadcast %max3A_173 : f32 to vector<2048x1xf32>
    %max3A_175 = arith.maximumf %broadcast_in_dim3A, %max3A_174 : vector<2048x1xf32>
    %rsqrt3A = math.rsqrt %max3A_175 : vector<2048x1xf32>
    %mul3A_176 = vector.broadcast %rsqrt3A : vector<2048x1xf32> to vector<2048x32xf32>
    %mul3A_177 = arith.mulf %max3A_170, %mul3A_176 : vector<2048x32xf32>
    %swap3A = arith.constant 0 : index
    %swap3A_178 = arith.constant 0 : index
    %swap3A_179 = vector.load %arg11[%swap3A, %swap3A_178] : memref<2048x32xf32, #tpu.memory_space<vmem>>, vector<2048x32xf32>
    tpu.vector_store %arg11[%swap3A, %swap3A_178], %mul3A_177 {strides = array<i32>} : memref<2048x32xf32, #tpu.memory_space<vmem>>, vector<2048x32xf32>,
    return
  }
  func.func @transform_0(%arg0: i32) -> (i32, i32) {
    %c0_i32 = arith.constant 0 : i32
    %c0_i32_0 = arith.constant 0 : i32
    return %arg0, %c0_i32 : i32, i32
  }
  func.func @transform_1(%arg0: i32) -> (i32, i32) {
    %c0_i32 = arith.constant 0 : i32
    %c0_i32_0 = arith.constant 0 : i32
    return %arg0, %c0_i32 : i32, i32
  }
  func.func @transform_2(%arg0: i32) -> (i32, i32) {
    %c0_i32 = arith.constant 0 : i32
    %c0_i32_0 = arith.constant 0 : i32
    return %arg0, %c0_i32 : i32, i32
  }
  func.func @transform_3(%arg0: i32) -> (i32, i32) {
    %c0_i32 = arith.constant 0 : i32
    %c0_i32_0 = arith.constant 0 : i32
    %c0_i32_1 = arith.constant 0 : i32
    return %c0_i32, %c0_i32_0 : i32, i32
  }
  func.func @transform_4(%arg0: i32) -> (i32, i32) {
    %c0_i32 = arith.constant 0 : i32
    %c0_i32_0 = arith.constant 0 : i32
    %c0_i32_1 = arith.constant 0 : i32
    return %c0_i32, %c0_i32_0 : i32, i32
  }
  func.func @transform_5(%arg0: i32) -> (i32, i32, i32) {
    %c0_i32 = arith.constant 0 : i32
    %c0_i32_0 = arith.constant 0 : i32
    %c0_i32_1 = arith.constant 0 : i32
    %c0_i32_2 = arith.constant 0 : i32
    return %c0_i32, %c0_i32_0, %c0_i32_1 : i32, i32, i32
  }
  func.func @transform_6(%arg0: i32) -> (i32, i32) {
    %c0_i32 = arith.constant 0 : i32
    %c0_i32_0 = arith.constant 0 : i32
    %c0_i32_1 = arith.constant 0 : i32
    return %c0_i32, %c0_i32_0 : i32, i32
  }
  func.func @transform_7(%arg0: i32) -> (i32, i32) {
    %c0_i32 = arith.constant 0 : i32
    %c0_i32_0 = arith.constant 0 : i32
    %c0_i32_1 = arith.constant 0 : i32
    return %c0_i32, %c0_i32_0 : i32, i32
  }
  func.func @transform_8(%arg0: i32) -> (i32, i32) {
    %c0_i32 = arith.constant 0 : i32
    %c0_i32_0 = arith.constant 0 : i32
    %c0_i32_1 = arith.constant 0 : i32
    return %c0_i32, %c0_i32_0 : i32, i32
  }
  func.func @transform_9(%arg0: i32) -> (i32, i32) {
    %c0_i32 = arith.constant 0 : i32
    %c0_i32_0 = arith.constant 0 : i32
    %c0_i32_1 = arith.constant 0 : i32
    return %c0_i32, %c0_i32_0 : i32, i32
  }
  func.func @transform_10(%arg0: i32) -> (i32, i32) {
    %c0_i32 = arith.constant 0 : i32
    %c0_i32_0 = arith.constant 0 : i32
    return %arg0, %c0_i32 : i32, i32
  }
}

</mosaic_0001>

<sc_bundles>
// kernel: kernel.6.cloned.1.call-start
scs
__scs_entry_jumppad:
0x0: {  	(pc) =	sbr.rel $0x88, $3  }
0x1: {  	(tag) =	ssettag $0x0;
	lr =	simm.s32 $0x1  }
0x2: {  	[smem:$0x3F93] =	sst lr;
	_ =	strace $0xD0000000  }
0x3: {  	_ = 	snop  }
0x4: {  	_ = 	snop  }
0x5: {  	_ = 	snop  }
0x6: {  	_ = 	snop  }
0x7: {  	_ = 	snop  }
__scs_overlays_trampoline_lowered:
0x8: {  	[smem:$0x3FA2] =	sst s0  }
0x9: {  	[smem:$0x3FA3] =	sst s1  }
0xa: {  	[smem:$0x3FA4] =	sst s2  }
0xb: {  	[smem:$0x3FA5] =	sst s3  }
0xc: {  	[smem:$0x3FA6] =	sst s4  }
0xd: {  	[smem:$0x3FA7] =	sst s5  }
0xe: {  	[smem:$0x3FA8] =	sst s6  }
0xf: {  	[smem:$0x3FA9] =	sst s7  }
0x10: {  	[smem:$0x3FAA] =	sst s8  }
0x11: {  	[smem:$0x3FAB] =	sst s9;
	s0 =	simm.s32 @!p0 $0x0  }
0x12: {  	s1 =	sld [smem:$0x3F91];
	s0 =	simm.s32 @p0 $0x1  }
0x13: {  	[smem:$0x3FAC] =	sst s0;
	s0 =	simm.s32 @!p1 $0x0  }
0x14: {  	s2 =	sld [smem:$0x3F90];
	s0 =	simm.s32 @p1 $0x1  }
0x15: {  	[smem:$0x3FAD] =	sst s0;
	s0 =	simm.s32 @!p2 $0x0  }
0x16: {  	s3 =	sld [smem:$0x3FDB];
	s0 =	simm.s32 @p2 $0x1  }
0x17: {  	s4 =	simm.s32 $0x1BF5;
	[smem:$0x3FAF] =	sst s0  }
0x18: {  	s0 =	sld [smem:$0x3F92];
	_ =	swait.ge [sflag:s4], $0x0  }
0x19: {  	s7 =	sld [smem:$0x3F93]  }
0x1a: {  	s8 =	sadd.s32 $0xFFFFE003, lr  }
0x1b: {  	s9 =	sadd.s32 $0xFFFFFEF7, lr;
	s5 =	simm.s32 $0xFFFFFFFF;
	p2 =	slt.u32 s8, $0xFFFFF086  }
0x1c: {  	p1 =	slt.u32 s9, $0xF7A;
	s5 =	simm.s32 @!p2 $0x0  }
0x1d: {  	s5 =	simm.s32 @p1 $0x1;
	p0 =	seq.s32 s7, s2  }
0x1e: {  	s7 =	smul.u32 @!p0 $0xF7A, s2;
	p2 =	seq.s32 @!p0 s5, $0x0  }
0x1f: {  	s9 =	smul.u32 $0xF7A, s1;
	s8 =	simm.s32 @!p0 $0x1BF5;
	p2 =	por !p2, p0  }
0x20: {  	[sflag:s8] =	ssyncset.s32 @!p0 $0xFFFFF086;
	s6 =	sadd.s32 @!p0 s3, s7;
	s7 =	simm.s32 @!p0 $0x108  }
0x21: {  	s3 =	sadd.s32 s3, s9;
	s6 =	sadd.s32 @!p0 $0x88, s6;
	s7 =	simm.s32 @p2 $0x1082  }
0x22: {  	[simem:s7], [sflag:s8] =	dma.local @!p0 [hbm:s6], $0xF7A  }
0x23: {  	s9 =	sor.u32 $0xD0000000, s2;
	s6 =	simm.s32 $0x108;
	_ =	swait.ge @!p0 [sflag:s8], $0x0  }
0x24: {  	s3 =	sadd.s32 $0x88, s3;
	s6 =	simm.s32 @!p1 $0x1082;
	[sflag:s4] =	ssyncset.s32 $0xFFFFF086  }
0x25: {  	[simem:s6], [sflag:s4] =	dma.local [hbm:s3], $0xF7A  }
0x26: {  	[smem:$0x3F93] =	sst s1;
	(tag) =	ssettag s2;
	_ =	strace s9  }
0x27: {  	s1 =	sld [smem:$0x3FA3]  }
0x28: {  	s2 =	sld [smem:$0x3FA4]  }
0x29: {  	s4 =	sld [smem:$0x3FA6]  }
0x2a: {  	p0 =	seq.s32 s5, $0x0;
	s5 =	sld [smem:$0x3FA7]  }
0x2b: {  	s6 =	sld [smem:$0x3FA8]  }
0x2c: {  	s7 =	sld [smem:$0x3FA9]  }
0x2d: {  	s3 =	simm.s32 $0x108;
	s8 =	sld [smem:$0x3FAA]  }
0x2e: {  	s3 =	simm.s32 @!p0 $0x1082;
	s9 =	sld [smem:$0x3FAB]  }
0x2f: {  	lr =	sadd.s32 s0, s3;
	s0 =	sld [smem:$0x3FA2]  }
0x30: {  	s3 =	sld [smem:$0x3FA5]  }
0x31: {  	[smem:$0x3FAE] =	sst s10  }
0x32: {  	s10 =	sld [smem:$0x3FAC];
	_ =	sdelay $0x3  }
0x33: {  	p0 =	seq.s32 s10, $0x1;
	s10 =	sld [smem:$0x3FAE];
	_ =	sdelay $0x3  }
0x34: {  	[smem:$0x3FAE] =	sst s10  }
0x35: {  	s10 =	sld [smem:$0x3FAD];
	_ =	sdelay $0x3  }
0x36: {  	p1 =	seq.s32 s10, $0x1;
	s10 =	sld [smem:$0x3FAE];
	_ =	sdelay $0x3  }
0x37: {  	[smem:$0x3FAE] =	sst s10  }
0x38: {  	s10 =	sld [smem:$0x3FAF]  }
0x39: {  	_ = 	snop;
	(pc) =	sbr.ind lr, $3  }
0x3a: {  	_ = 	snop  }
0x3b: {  	_ = 	snop  }
0x3c: {  	p2 =	seq.s32 s10, $0x1;
	s10 =	sld [smem:$0x3FAE]  }
0x3d: {  	_ =	shalt  }
0x3e: {  	_ =	shalt  }
0x3f: {  	_ =	shalt  }
0x40: {  	_ =	shalt  }
0x41: {  	_ =	shalt  }
0x42: {  	_ =	shalt  }
0x43: {  	_ =	shalt  }
0x44: {  	_ =	shalt  }
0x45: {  	_ =	shalt  }
0x46: {  	_ =	shalt  }
0x47: {  	_ =	shalt  }
0x48: {  	_ =	shalt  }
0x49: {  	_ =	shalt  }
0x4a: {  	_ =	shalt  }
0x4b: {  	_ =	shalt  }
0x4c: {  	_ =	shalt  }
0x4d: {  	_ =	shalt  }
0x4e: {  	_ =	shalt  }
0x4f: {  	_ =	shalt  }
0x50: {  	_ =	shalt  }
0x51: {  	_ =	shalt  }
0x52: {  	_ =	shalt  }
0x53: {  	_ =	shalt  }
0x54: {  	_ =	shalt  }
0x55: {  	_ =	shalt  }
0x56: {  	_ =	shalt  }
0x57: {  	_ =	shalt  }
0x58: {  	_ =	shalt  }
0x59: {  	_ =	shalt  }
0x5a: {  	_ =	shalt  }
0x5b: {  	_ =	shalt  }
0x5c: {  	_ =	shalt  }
0x5d: {  	_ =	shalt  }
0x5e: {  	_ =	shalt  }
0x5f: {  	_ =	shalt  }
0x60: {  	_ =	shalt  }
0x61: {  	_ =	shalt  }
0x62: {  	_ =	shalt  }
0x63: {  	_ =	shalt  }
0x64: {  	_ =	shalt  }
0x65: {  	_ =	shalt  }
0x66: {  	_ =	shalt  }
0x67: {  	_ =	shalt  }
0x68: {  	_ =	shalt  }
0x69: {  	_ =	shalt  }
0x6a: {  	_ =	shalt  }
0x6b: {  	_ =	shalt  }
0x6c: {  	_ =	shalt  }
0x6d: {  	_ =	shalt  }
0x6e: {  	_ =	shalt  }
0x6f: {  	_ =	shalt  }
0x70: {  	_ =	shalt  }
0x71: {  	_ =	shalt  }
0x72: {  	_ =	shalt  }
0x73: {  	_ =	shalt  }
0x74: {  	_ =	shalt  }
0x75: {  	_ =	shalt  }
0x76: {  	_ =	shalt  }
0x77: {  	_ =	shalt  }
0x78: {  	_ =	shalt  }
0x79: {  	_ =	shalt  }
0x7a: {  	_ =	shalt  }
0x7b: {  	_ =	shalt  }
0x7c: {  	_ =	shalt  }
0x7d: {  	_ =	shalt  }
0x7e: {  	_ =	shalt  }
0x7f: {  	_ =	shalt  }
0x80: {  	_ =	shalt  }
0x81: {  	_ =	shalt  }
0x82: {  	_ =	shalt  }
0x83: {  	_ =	shalt  }
0x84: {  	_ =	shalt  }
0x85: {  	_ =	shalt  }
0x86: {  	_ =	shalt  }
0x87: {  	_ =	shalt  }
.Lfunc_end0:
.L_simem_size_0:
called_computation_lowered:
.L_overlay_start_0:
0x88: {  	s2 =	sld [smem:$0x3FD9]  }
0x89: {  	s3 =	sld [smem:$0x3FFE];
	_ =	sdelay $0x1  }
0x8a: {  	s1 =	srdreg.scid  }
0x8b: {  	s0 =	sand.u32 $0x1, s1  }
0x8c: {  	s17 =	sshll.u32 s0, $0xA;
	s2 =	sadd.s32 s3, s2  }
0x8d: {  	s2 =	sadd.s32 s2, s17  }
0x8e: {  	[smem:$0x3FBA] =	sst s2  }
0x8f: {  	_ = 	snop  }
0x90: {  	s2 =	sld [smem:$0x3FD0];
	(tm) =	ssettm $0x1  }
0x91: {  	s18 =	sld [smem:$0x3FFB];
	_ =	sdelay $0x3  }
0x92: {  	_ =	strace s18  }
0x93: {  	s3 =	sld [smem:$0x3FFC];
	_ =	sdelay $0x3  }
0x94: {  	_ =	strace s3  }
0x95: {  	s3 =	sld [smem:$0x3FFD];
	_ =	sdelay $0x3  }
0x96: {  	_ =	strace s3  }
0x97: {  	_ =	strace $0x8FFFFFFF  }
0x98: {  	s19 =	sld [smem:$0x3FDB];
	_ =	sdelay $0x1  }
0x99: {  	s4 =	simm.s32 $_scs_section_size  }
0x9a: {  	s5 =	simm.s32 $_size__tile_overlayer_lowered;
	s6 =	simm.s32 $_tile_overlayer_lowered  }
0x9b: {  	s22 =	simm.s32 $0x1BFF;
	s21 =	sshll.u32 s6, $0x1;
	s3 =	sadd.s32 s4, s19  }
0x9c: {  	s7 =	simm.s32 $0x0;
	s20 =	sshll.u32 s5, $0x1;
	s5 =	sadd.s32 s21, s3  }
0x9d: {  	[timem:s7], [sflag:s22] =	dma.local [hbm:s5], s20  }
0x9e: {  	_ =	swait.ge [sflag:s22], s20  }
0x9f: {  	s4 =	ssub.s32 $0x0, s20;
	[sflag:s22] =	ssyncset.done $0x0  }
0xa0: {  	[sflag:s22] =	ssyncadd.s32 s4;
	_ =	sdelay $0x1  }
0xa1: {  	s23 =	simm.s32 $0x1B8B  }
0xa2: {  	_ =	swait.ge [sflag:s23], $0x1  }
0xa3: {  	[sflag:s23] =	ssyncset.done $0x0  }
0xa4: {  	s25 =	simm.s32 $0x1B8E;
	s24 =	sld [smem:$0x3FFE];
	[sflag:s23] =	ssyncadd.s32 $0xFFFFFFFF  }
0xa5: {  	s26 =	simm.s32 $execute0_lowered;
	[smem:$0x3FD2] =	sst s25  }
0xa6: {  	s5 =	sshll.u32 s26, $0x1;
	_ =	strace $0x80000046;
	[dreg:$0x1] =	wrdreg $0xFFFFFFFF  }
0xa7: {  	s28 =	simm.s32 $_size_execute0_lowered;
	s3 =	sadd.s32 s3, s5;
	[dreg:$0x0] =	wrdreg $0x0  }
0xa8: {  	s5 =	sshll.u32 s28, $0x1;
	[dreg:$0x2] =	wrdreg s3  }
0xa9: {  	[dreg:$0x3] =	wrdreg s5  }
0xaa: {  	[dreg:$0x4] =	wrdreg $0xC0  }
0xab: {  	_ =	task [dreg:s7], $0x5FFFF  }
0xac: {  	[dreg:$0x1] =	wrdreg $0xFFFFFFFF  }
0xad: {  	[dreg:$0x0] =	wrdreg $0x60  }
0xae: {  	[dreg:$0x2] =	wrdreg s24  }
0xaf: {  	[dreg:$0x3] =	wrdreg s2  }
0xb0: {  	[dreg:$0x4] =	wrdreg $0x9  }
0xb1: {  	_ =	task.clear_ibuf [dreg:s7], $0x5FFFF;
	_ =	strace $0x90000046  }
0xb2: {  	s29 =	simm.s32 $0x9;
	_ =	strace $0x80000048  }
0xb3: {  	_ =	swait.ge [sflag:s29], $0x1  }
0xb4: {  	[sflag:s29] =	ssyncadd.s32 $0xFFFFFFFF  }
0xb5: {  	_ =	strace $0x90000048  }
0xb6: {  	_ =	sfence  }
0xb7: {  	s30 =	sld [smem:$0x0];
	_ =	sdelay $0x2  }
0xb8: {  	s31 =	sshll.u32 s1, $0xD;
	s1 =	sshrl.u32 s1, $0x2  }
0xb9: {  	s3 =	sand.u32 $0x4000, s31;
	s1 =	sadd.s32 s1, s30  }
0xba: {  	s0 =	sor.u32 s3, s0;
	s1 =	sshll.u32 s1, $0x11  }
0xbb: {  	s0 =	sor.u32 s1, s0  }
0xbc: {  	s0 =	sadd.s32 $0x8F2B, s0  }
0xbd: {  	[sflag:s0] =	ssyncadd.remote.s32 $0x1  }
0xbe: {  	_ =	sfence.sel $0xFFFF  }
0xbf: {  	[dreg:$0x0] =	wrdreg $0xFFFFFFFF;
	(pc) =	sbr.abs _section_cstart, $3  }
0xc0: {  	[dreg:$0x1] =	wrdreg $0xFFFFFFFF  }
0xc1: {  	_ =	task.clear_ibuf [dreg:s7], $0x2FFFF;
	_ =	strace $0x9FFFFFFF  }
0xc2: {  	(tm) =	ssettm $0x7FFFFFFF  }
0xc3: {  	_ =	shalt  }
tec
execute0_lowered:
.L_overlay_start_1:
0x0: {  	(tag) =	ssettag $0x1  }
0x1: {  	s1 =	srdreg.scid  }
0x2: {  	s0 =	stileid.u32;
	s28 =	sand.u32 $0x1, s1  }
0x3: {  	s18 =	rddreg [dreg:$0x0];
	s3 =	sshll.u32 s0, $0x7;
	s4 =	sshll.u32 s28, $0x6  }
0x4: {  	s5 =	rddreg [dreg:$0x1];
	s2 =	simm.s32 $0x0;
	s6 =	sor.u32 s4, s3  }
0x5: {  	[smem:$0x7FF] =	sst s2;
	s3 =	sadd.s32 s6, s18  }
0x6: {  	_ =	strace $0x80000047;
	s4 =	sadd.s32 $0x843400, s3;
	s3 =	simm.s32 $0x3  }
0x7: {  	[tilespmem:s2], [sflag:$0x3] =	stream.linear.gather [hbm4b:s4+s2], $0x200, $0x38;
	[tilespmem:$0x10400] =	vst v63  }
0x8: {  	_ =	swait.ge [sflag:s3], $0x200  }
0x9: {  	[sflag:s3] =	ssyncset.done $0x0  }
0xa: {  	s5 =	sadd.s32 s5, s6;
	s6 =	simm.s32 $0x200;
	[sflag:s3] =	ssyncadd.s32 $0xFFFFFE00  }
0xb: {  	[tilespmem:s6], [sflag:$0x3] =	stream.linear.gather [hbm4b:s5+s2], $0x200, $0x38;
	[tilespmem:$0x10400] =	vst v63  }
0xc: {  	_ =	swait.ge [sflag:s3], $0x200  }
0xd: {  	s8 =	simm.s32 $0x80;
	[sflag:s3] =	ssyncset.done $0x0  }
0xe: {  	s9 =	simm.s32 $0x400;
	s7 =	sadd.s32 $0x3400, s18;
	[sflag:s3] =	ssyncadd.s32 $0xFFFFFE00  }
0xf: {  	[tilespmem:s9], [sflag:$0x1] =	stream.indirect.gather [hbm4b:s7+s8], $0x80, s2, s8, $0xb8;
	[tilespmem:$0x10400] =	vst v63  }
0x10: {  	s11 =	simm.s32 $0x8400;
	s12 =	simm.s32 $0x1;
	s10 =	sadd.s32 $0x7C3400, s18  }
0x11: {  	[tilespmem:s11], [sflag:$0x2] =	stream.indirect.gather [hbm4b:s10+s8], $0x80, s6, s8, $0xb8;
	[tilespmem:$0x10400] =	vst v63  }
0x12: {  	_ =	swait.ge [sflag:s12], $0x4000  }
0x13: {  	[sflag:s12] =	ssyncset.done $0x0  }
0x14: {  	s13 =	simm.s32 $0x2;
	[sflag:s12] =	ssyncadd.s32 $0xFFFFC000  }
0x15: {  	_ =	swait.ge [sflag:s13], $0x4000  }
0x16: {  	s14 =	simm.s32 $0x4400;
	s29 =	sadd.s32 $0x843C00, s18;
	[sflag:s13] =	ssyncset.done $0x0  }
0x17: {  	s15 =	sshll.u32 s0, $0xE;
	s16 =	sshll.u32 s28, $0xD;
	[sflag:s13] =	ssyncadd.s32 $0xFFFFC000  }
0x18: {  	[tilespmem:s14], [sflag:$0x1] =	stream.indirect.gather [hbm4b:s7+s8], $0x80, s8, s8, $0xb8;
	[tilespmem:$0x10400] =	vst v63  }
0x19: {  	s31 =	sor.u32 s16, s15;
	s15 =	simm.s32 $0x280;
	s16 =	simm.s32 $0xC400  }
0x1a: {  	[tilespmem:s16], [sflag:$0x2] =	stream.indirect.gather [hbm4b:s10+s8], $0x80, s15, s8, $0xb8;
	[tilespmem:$0x10400] =	vst v63  }
0x1b: {  	s17 =	sadd.s32 s29, s31  }
0x1c: {  	[hbm4b:s17+s2] =	stream.linear.scatter [tilespmem:s9], [sflag:$0x3], $0x4000, $0x38;
	[tilespmem:$0x10400] =	vst v63  }
0x1d: {  	_ =	swait.ge [sflag:s3], $0x4000  }
0x1e: {  	s30 =	sadd.s32 $0x883C00, s18;
	[sflag:s3] =	ssyncset.done $0x0  }
0x1f: {  	s18 =	sadd.s32 s30, s31;
	[sflag:s3] =	ssyncadd.s32 $0xFFFFC000  }
0x20: {  	[hbm4b:s18+s2] =	stream.linear.scatter [tilespmem:s11], [sflag:$0x3], $0x4000, $0x38;
	[tilespmem:$0x10400] =	vst v63  }
0x21: {  	_ =	swait.ge [sflag:s3], $0x4000  }
0x22: {  	[sflag:s3] =	ssyncset.done $0x0  }
0x23: {  	[sflag:s3] =	ssyncadd.s32 $0xFFFFC000  }
0x24: {  	_ =	swait.ge [sflag:s12], $0x4000  }
0x25: {  	[sflag:s12] =	ssyncset.done $0x0  }
0x26: {  	[sflag:s12] =	ssyncadd.s32 $0xFFFFC000  }
0x27: {  	_ =	swait.ge [sflag:s13], $0x4000  }
0x28: {  	[sflag:s13] =	ssyncset.done $0x0  }
0x29: {  	s19 =	simm.s32 $0x100;
	[sflag:s13] =	ssyncadd.s32 $0xFFFFC000  }
0x2a: {  	[tilespmem:s9], [sflag:$0x1] =	stream.indirect.gather [hbm4b:s7+s8], $0x80, s19, s8, $0xb8;
	[tilespmem:$0x10400] =	vst v63  }
0x2b: {  	s20 =	simm.s32 $0x300;
	s22 =	sor.u32 $0x800, s31  }
0x2c: {  	[tilespmem:s11], [sflag:$0x2] =	stream.indirect.gather [hbm4b:s10+s8], $0x80, s20, s8, $0xb8;
	[tilespmem:$0x10400] =	vst v63  }
0x2d: {  	s21 =	sadd.s32 s29, s22  }
0x2e: {  	[hbm4b:s21+s2] =	stream.linear.scatter [tilespmem:s14], [sflag:$0x3], $0x4000, $0x38;
	[tilespmem:$0x10400] =	vst v63  }
0x2f: {  	_ =	swait.ge [sflag:s3], $0x4000  }
0x30: {  	[sflag:s3] =	ssyncset.done $0x0  }
0x31: {  	s22 =	sadd.s32 s30, s22;
	[sflag:s3] =	ssyncadd.s32 $0xFFFFC000  }
0x32: {  	[hbm4b:s22+s2] =	stream.linear.scatter [tilespmem:s16], [sflag:$0x3], $0x4000, $0x38;
	[tilespmem:$0x10400] =	vst v63  }
0x33: {  	_ =	swait.ge [sflag:s3], $0x4000  }
0x34: {  	[sflag:s3] =	ssyncset.done $0x0  }
0x35: {  	[sflag:s3] =	ssyncadd.s32 $0xFFFFC000  }
0x36: {  	_ =	swait.ge [sflag:s12], $0x4000  }
0x37: {  	[sflag:s12] =	ssyncset.done $0x0  }
0x38: {  	[sflag:s12] =	ssyncadd.s32 $0xFFFFC000  }
0x39: {  	_ =	swait.ge [sflag:s13], $0x4000  }
0x3a: {  	[sflag:s13] =	ssyncset.done $0x0  }
0x3b: {  	s23 =	simm.s32 $0x180;
	[sflag:s13] =	ssyncadd.s32 $0xFFFFC000  }
0x3c: {  	[tilespmem:s14], [sflag:$0x1] =	stream.indirect.gather [hbm4b:s7+s8], $0x80, s23, s8, $0xb8;
	[tilespmem:$0x10400] =	vst v63  }
0x3d: {  	s24 =	simm.s32 $0x380;
	s26 =	sor.u32 $0x1000, s31  }
0x3e: {  	[tilespmem:s16], [sflag:$0x2] =	stream.indirect.gather [hbm4b:s10+s8], $0x80, s24, s8, $0xb8;
	[tilespmem:$0x10400] =	vst v63  }
0x3f: {  	s25 =	sadd.s32 s29, s26  }
0x40: {  	[hbm4b:s25+s2] =	stream.linear.scatter [tilespmem:s9], [sflag:$0x3], $0x4000, $0x38;
	[tilespmem:$0x10400] =	vst v63  }
0x41: {  	_ =	swait.ge [sflag:s3], $0x4000  }
0x42: {  	[sflag:s3] =	ssyncset.done $0x0  }
0x43: {  	s26 =	sadd.s32 s30, s26;
	[sflag:s3] =	ssyncadd.s32 $0xFFFFC000  }
0x44: {  	[hbm4b:s26+s2] =	stream.linear.scatter [tilespmem:s11], [sflag:$0x3], $0x4000, $0x38;
	[tilespmem:$0x10400] =	vst v63  }
0x45: {  	_ =	swait.ge [sflag:s3], $0x4000  }
0x46: {  	[sflag:s3] =	ssyncset.done $0x0  }
0x47: {  	[sflag:s3] =	ssyncadd.s32 $0xFFFFC000  }
0x48: {  	_ =	swait.ge [sflag:s12], $0x4000  }
0x49: {  	[sflag:s12] =	ssyncset.done $0x0  }
0x4a: {  	s1 =	ssub.s32 $0x2, s28;
	s31 =	sor.u32 $0x1800, s31;
	[sflag:s12] =	ssyncadd.s32 $0xFFFFC000  }
0x4b: {  	s28 =	sadd.s32 s29, s31;
	s29 =	sshrl.u32 s1, $0x1;
	_ =	swait.ge [sflag:s13], $0x4000  }
0x4c: {  	s1 =	ssub.s32 s1, s29;
	[sflag:s13] =	ssyncset.done $0x0  }
0x4d: {  	s1 =	smax.u32 s1, $0x1;
	[sflag:s13] =	ssyncadd.s32 $0xFFFFC000  }
0x4e: {  	[hbm4b:s28+s2] =	stream.linear.scatter [tilespmem:s14], [sflag:$0x3], $0x4000, $0x38;
	[tilespmem:$0x10400] =	vst v63  }
0x4f: {  	p0 =	sne.s32 s1, $0x1;
	_ =	swait.ge [sflag:s3], $0x4000  }
.Ltmp0:
0x50: {  	[sflag:s3] =	ssyncset.done $0x0;
	(pc) =	sbr.rel @!p0 .LBB2_2-.Ltmp0, $4  }
0x51: {  	s29 =	sadd.s32 s30, s31;
	[sflag:s3] =	ssyncadd.s32 $0xFFFFC000  }
0x52: {  	[hbm4b:s29+s2] =	stream.linear.scatter [tilespmem:s16], [sflag:$0x3], $0x4000, $0x38;
	[tilespmem:$0x10400] =	vst v63  }
0x53: {  	_ =	swait.ge [sflag:s3], $0x4000  }
0x54: {  	s30 =	sadd.s32 $0xFFFFFFFF, s1;
	[sflag:s3] =	ssyncset.done $0x0  }
.LBB2_1:
0x55: {  	p0 =	sne.s32 s30, $0x1;
	s30 =	sadd.s32 $0xFFFFFFFF, s30;
	[sflag:s3] =	ssyncadd.s32 $0xFFFFC000  }
0x56: {  	[tilespmem:s2], [sflag:$0x3] =	stream.linear.gather [hbm4b:s4+s2], $0x200, $0x38;
	[tilespmem:$0x10400] =	vst v63  }
0x57: {  	_ =	swait.ge [sflag:s3], $0x200  }
0x58: {  	[sflag:s3] =	ssyncset.done $0x0  }
0x59: {  	[sflag:s3] =	ssyncadd.s32 $0xFFFFFE00  }
0x5a: {  	[tilespmem:s6], [sflag:$0x3] =	stream.linear.gather [hbm4b:s5+s2], $0x200, $0x38;
	[tilespmem:$0x10400] =	vst v63  }
0x5b: {  	_ =	swait.ge [sflag:s3], $0x200  }
0x5c: {  	[sflag:s3] =	ssyncset.done $0x0  }
0x5d: {  	[sflag:s3] =	ssyncadd.s32 $0xFFFFFE00  }
0x5e: {  	[tilespmem:s9], [sflag:$0x1] =	stream.indirect.gather [hbm4b:s7+s8], $0x80, s2, s8, $0xb8;
	[tilespmem:$0x10400] =	vst v63  }
0x5f: {  	_ = 	snop  }
0x60: {  	[tilespmem:s11], [sflag:$0x2] =	stream.indirect.gather [hbm4b:s10+s8], $0x80, s6, s8, $0xb8;
	[tilespmem:$0x10400] =	vst v63  }
0x61: {  	_ =	swait.ge [sflag:s12], $0x4000  }
0x62: {  	[sflag:s12] =	ssyncset.done $0x0  }
0x63: {  	[sflag:s12] =	ssyncadd.s32 $0xFFFFC000  }
0x64: {  	_ =	swait.ge [sflag:s13], $0x4000  }
0x65: {  	[sflag:s13] =	ssyncset.done $0x0  }
0x66: {  	[sflag:s13] =	ssyncadd.s32 $0xFFFFC000  }
0x67: {  	[tilespmem:s14], [sflag:$0x1] =	stream.indirect.gather [hbm4b:s7+s8], $0x80, s8, s8, $0xb8;
	[tilespmem:$0x10400] =	vst v63  }
0x68: {  	_ = 	snop  }
0x69: {  	[tilespmem:s16], [sflag:$0x2] =	stream.indirect.gather [hbm4b:s10+s8], $0x80, s15, s8, $0xb8;
	[tilespmem:$0x10400] =	vst v63  }
0x6a: {  	_ = 	snop  }
0x6b: {  	[hbm4b:s17+s2] =	stream.linear.scatter [tilespmem:s9], [sflag:$0x3], $0x4000, $0x38;
	[tilespmem:$0x10400] =	vst v63  }
0x6c: {  	_ =	swait.ge [sflag:s3], $0x4000  }
0x6d: {  	[sflag:s3] =	ssyncset.done $0x0  }
0x6e: {  	[sflag:s3] =	ssyncadd.s32 $0xFFFFC000  }
0x6f: {  	[hbm4b:s18+s2] =	stream.linear.scatter [tilespmem:s11], [sflag:$0x3], $0x4000, $0x38;
	[tilespmem:$0x10400] =	vst v63  }
0x70: {  	_ =	swait.ge [sflag:s3], $0x4000  }
0x71: {  	[sflag:s3] =	ssyncset.done $0x0  }
0x72: {  	[sflag:s3] =	ssyncadd.s32 $0xFFFFC000  }
0x73: {  	_ =	swait.ge [sflag:s12], $0x4000  }
0x74: {  	[sflag:s12] =	ssyncset.done $0x0  }
0x75: {  	[sflag:s12] =	ssyncadd.s32 $0xFFFFC000  }
0x76: {  	_ =	swait.ge [sflag:s13], $0x4000  }
0x77: {  	[sflag:s13] =	ssyncset.done $0x0  }
0x78: {  	[sflag:s13] =	ssyncadd.s32 $0xFFFFC000  }
0x79: {  	[tilespmem:s9], [sflag:$0x1] =	stream.indirect.gather [hbm4b:s7+s8], $0x80, s19, s8, $0xb8;
	[tilespmem:$0x10400] =	vst v63  }
0x7a: {  	_ = 	snop  }
0x7b: {  	[tilespmem:s11], [sflag:$0x2] =	stream.indirect.gather [hbm4b:s10+s8], $0x80, s20, s8, $0xb8;
	[tilespmem:$0x10400] =	vst v63  }
0x7c: {  	_ = 	snop  }
0x7d: {  	[hbm4b:s21+s2] =	stream.linear.scatter [tilespmem:s14], [sflag:$0x3], $0x4000, $0x38;
	[tilespmem:$0x10400] =	vst v63  }
0x7e: {  	_ =	swait.ge [sflag:s3], $0x4000  }
0x7f: {  	[sflag:s3] =	ssyncset.done $0x0  }
0x80: {  	[sflag:s3] =	ssyncadd.s32 $0xFFFFC000  }
0x81: {  	[hbm4b:s22+s2] =	stream.linear.scatter [tilespmem:s16], [sflag:$0x3], $0x4000, $0x38;
	[tilespmem:$0x10400] =	vst v63  }
0x82: {  	_ =	swait.ge [sflag:s3], $0x4000  }
0x83: {  	[sflag:s3] =	ssyncset.done $0x0  }
0x84: {  	[sflag:s3] =	ssyncadd.s32 $0xFFFFC000  }
0x85: {  	_ =	swait.ge [sflag:s12], $0x4000  }
0x86: {  	[sflag:s12] =	ssyncset.done $0x0  }
0x87: {  	[sflag:s12] =	ssyncadd.s32 $0xFFFFC000  }
0x88: {  	_ =	swait.ge [sflag:s13], $0x4000  }
0x89: {  	[sflag:s13] =	ssyncset.done $0x0  }
0x8a: {  	[sflag:s13] =	ssyncadd.s32 $0xFFFFC000  }
0x8b: {  	[tilespmem:s14], [sflag:$0x1] =	stream.indirect.gather [hbm4b:s7+s8], $0x80, s23, s8, $0xb8;
	[tilespmem:$0x10400] =	vst v63  }
0x8c: {  	_ = 	snop  }
0x8d: {  	[tilespmem:s16], [sflag:$0x2] =	stream.indirect.gather [hbm4b:s10+s8], $0x80, s24, s8, $0xb8;
	[tilespmem:$0x10400] =	vst v63  }
0x8e: {  	_ = 	snop  }
0x8f: {  	[hbm4b:s25+s2] =	stream.linear.scatter [tilespmem:s9], [sflag:$0x3], $0x4000, $0x38;
	[tilespmem:$0x10400] =	vst v63  }
0x90: {  	_ =	swait.ge [sflag:s3], $0x4000  }
0x91: {  	[sflag:s3] =	ssyncset.done $0x0  }
0x92: {  	[sflag:s3] =	ssyncadd.s32 $0xFFFFC000  }
0x93: {  	[hbm4b:s26+s2] =	stream.linear.scatter [tilespmem:s11], [sflag:$0x3], $0x4000, $0x38;
	[tilespmem:$0x10400] =	vst v63  }
0x94: {  	_ =	swait.ge [sflag:s3], $0x4000  }
0x95: {  	[sflag:s3] =	ssyncset.done $0x0  }
0x96: {  	[sflag:s3] =	ssyncadd.s32 $0xFFFFC000  }
0x97: {  	_ =	swait.ge [sflag:s12], $0x4000  }
0x98: {  	[sflag:s12] =	ssyncset.done $0x0  }
0x99: {  	[sflag:s12] =	ssyncadd.s32 $0xFFFFC000  }
0x9a: {  	_ =	swait.ge [sflag:s13], $0x4000  }
0x9b: {  	[sflag:s13] =	ssyncset.done $0x0  }
0x9c: {  	[sflag:s13] =	ssyncadd.s32 $0xFFFFC000  }
0x9d: {  	[hbm4b:s28+s2] =	stream.linear.scatter [tilespmem:s14], [sflag:$0x3], $0x4000, $0x38;
	[tilespmem:$0x10400] =	vst v63  }
0x9e: {  	_ =	swait.ge [sflag:s3], $0x4000  }
.Ltmp1:
0x9f: {  	[sflag:s3] =	ssyncset.done $0x0;
	(pc) =	sbr.rel @p0 .LBB2_1-.Ltmp1, $4  }
0xa0: {  	[sflag:s3] =	ssyncadd.s32 $0xFFFFC000  }
0xa1: {  	[hbm4b:s29+s2] =	stream.linear.scatter [tilespmem:s16], [sflag:$0x3], $0x4000, $0x38;
	[tilespmem:$0x10400] =	vst v63  }
0xa2: {  	_ =	swait.ge [sflag:s3], $0x4000  }
0xa3: {  	[sflag:s3] =	ssyncset.done $0x0  }
.LBB2_2:
0xa4: {  	[sflag:s3] =	ssyncadd.s32 $0xFFFFC000  }
0xa5: {  	_ =	sfence.sel $0x180000  }
0xa6: {  	[bflag:$0x0] =	sbarrier.arrive $0xFFFF  }
0xa7: {  	_ =	strace $0x90000047  }
0xa8: {  	[bflag:$0x2] =	sbarrier.arrive $0xFFFF  }
0xa9: {  	p0 =	sne.s32 s0, $0x0;
	s0 =	rddreg [dreg:$0x2]  }
0xaa: {  	s0 =	sadd.s32 @!p0 $0x100000, s0  }
0xab: {  	[sflag:s0] =	ssyncadd.tile.s32 @!p0 $0x1;
	_ =	shalt  }
.Lfunc_end2:
_tile_overlayer_lowered:
.L_overlay_start_2:
0xac: {  	(tag) =	ssettag $0x2  }
0xad: {  	s0 =	rddreg [dreg:$0x0];
	s2 =	stileid.u32  }
0xae: {  	s1 =	rddreg [dreg:$0x1];
	p0 =	sne.s32 s2, $0x0  }
0xaf: {  	s3 =	rddreg [dreg:$0x2];
	[bflag:$0x3] =	sbarrier.arrive $0xFFFF;
	s2 =	simm.s32 @!p0 $0x1C03  }
0xb0: {  	[timem:s3], [sflag:s2] =	dma.local @!p0 [hbm:s0], s1  }
0xb1: {  	s0 =	simm.s32 @!p0 $0x3  }
0xb2: {  	_ =	swait.ge @!p0 [sflag:s0], s1  }
0xb3: {  	s1 =	ssub.s32 @!p0 $0x0, s1;
	[sflag:s0] =	ssyncset.done @!p0 $0x0  }
0xb4: {  	[sflag:s0] =	ssyncadd.s32 @!p0 s1  }
0xb5: {  	[bflag:$0x3] =	sbarrier.arrive $0xFFFF  }
0xb6: {  	_ =	shalt  }

</sc_bundles>
